<compile_context>
chip_gen: v7x
topology: tpu7x:2x2x1
jax: 0.10.2.dev20260603
libtpu: 0.0.44.dev20260713+nightly
codegen_flags: <defaults>
</compile_context>

<pallas_src>
import functools
import math

import jax
import jax.numpy as jnp
from jax import lax
from jax.experimental import pallas as pl
from jax.experimental.pallas import tpu as pltpu
from jax.experimental.pallas import tpu_sc as plsc

N = 10000
E = 320000
H = 128
PE = 32
L = 3

NC = 2
NS = 16
NW = NC * NS
CH = 128
NBUF = 2
SR = 40
NCH = 80
EPW = NCH * CH
E_PAD = NW * EPW
N_ACC = 10240
RPT = N_ACC // NS
BM = 2000

_HIGH = jax.lax.Precision.HIGHEST


def _dot(a, b):
    return jnp.dot(a, b, precision=_HIGH, preferred_element_type=jnp.float32)



def _sc_agg_body(h_hbm, e_hbm, part_hbm, degp_hbm,
                 idx, rows, ones_v, zrow, acc, dacc,
                 sem_i, sem_g, sem_s, *, with_deg):
    cid = lax.axis_index("c")
    sid = lax.axis_index("s")
    wid = sid * NC + cid
    t0 = sid * RPT

    def fill(k, _):
        ones_v[pl.ds(k * 16, 16)] = jnp.full((16,), 1.0, jnp.float32)
        zrow[pl.ds(k * 16, 16)] = jnp.zeros((16,), jnp.float32)
        return 0
    with jax.named_scope("sc_zero"):
        lax.fori_loop(0, CH // 16, fill, 0)
        _zero_phase(rows, zrow, acc, dacc, t0, sem_i)

    plsc.subcore_barrier()

    with jax.named_scope("sc_edges"):
        _edge_phase(h_hbm, e_hbm, degp_hbm, idx, rows, ones_v, acc, dacc,
                    sem_g, sem_s, wid, with_deg)

    plsc.subcore_barrier()

    with jax.named_scope("sc_wb"):
        _wb_phase(part_hbm, degp_hbm, acc, dacc, cid, t0, sem_i)


def _zero_phase(rows, zrow, acc, dacc, t0, sem_z):

    def zrows(k, _):
        r = k // (H // 16)
        c = k % (H // 16)
        rows[0, r, pl.ds(c * 16, 16)] = jnp.zeros((16,), jnp.float32)
        return 0
    lax.fori_loop(0, CH * (H // 16), zrows, 0)

    ds = []
    for k in range(RPT // CH):
        ds.append(pltpu.async_copy(rows.at[0],
                                   acc.at[pl.ds(t0 + k * CH, CH)], sem_z))
        ds.append(pltpu.async_copy(zrow,
                                   dacc.at[pl.ds(t0 + k * CH, CH)], sem_z))
    for d in ds:
        d.wait()


def _edge_phase(h_hbm, e_hbm, degp_hbm, idx, rows, ones_v, acc, dacc,
                sem_g, sem_s, wid, with_deg):
    def drain_slot(b):
        pltpu.make_async_copy(h_hbm.at[pl.ds(0, CH)], rows.at[b],
                              sem_s).wait()
        if with_deg:
            pltpu.make_async_copy(degp_hbm.at[0, pl.ds(0, CH)], ones_v,
                                  sem_s).wait()

    def super_body(sr, _):
        pltpu.sync_copy(e_hbm.at[wid, pl.ds(sr * SR, SR)], idx)
        def round_body(r, _):
            g = sr * (SR // NBUF) + r
            dg = []
            for b in range(NBUF):
                @pl.when(g > 0)
                def _(b=b):
                    drain_slot(b)
                dg.append(pltpu.async_copy(
                    h_hbm.at[idx.at[r * NBUF + b, 0]], rows.at[b], sem_g))
            for b in range(NBUF):
                dg[b].wait()
                pltpu.async_copy(
                    rows.at[b], acc.at[idx.at[r * NBUF + b, 1]],
                    sem_s, add=True)
                if with_deg:
                    pltpu.async_copy(
                        ones_v, dacc.at[idx.at[r * NBUF + b, 1]],
                        sem_s, add=True)
            return 0
        lax.fori_loop(0, SR // NBUF, round_body, 0)
        return 0
    lax.fori_loop(0, NCH // SR, super_body, 0)
    for b in range(NBUF):
        drain_slot(b)


def _wb_phase(part_hbm, degp_hbm, acc, dacc, cid, t0, sem_i):
    ds = []
    for k in range(RPT // CH):
        r = t0 + k * CH
        ds.append(pltpu.async_copy(acc.at[pl.ds(r, CH)],
                                   part_hbm.at[cid, pl.ds(r, CH)], sem_i))
    ds.append(pltpu.async_copy(dacc.at[pl.ds(t0, RPT)],
                               degp_hbm.at[cid, pl.ds(t0, RPT)], sem_i))
    for d in ds:
        d.wait()


@functools.partial(jax.jit, static_argnames=("with_deg",))
def _sc_agg(h, e_pack, with_deg=True):
    mesh = plsc.VectorSubcoreMesh(core_axis_name="c", subcore_axis_name="s",
                                  num_cores=NC, num_subcores=NS)
    kern = pl.kernel(
        functools.partial(_sc_agg_body, with_deg=with_deg),
        out_type=(
            jax.ShapeDtypeStruct((NC, N_ACC, H), jnp.float32),
            jax.ShapeDtypeStruct((NC, N_ACC), jnp.float32),
        ),
        mesh=mesh,
        scratch_types=[
            pltpu.VMEM((SR, 2, CH), jnp.int32),
            pltpu.VMEM((NBUF, CH, H), jnp.float32),
            pltpu.VMEM((CH,), jnp.float32),
            pltpu.VMEM((CH,), jnp.float32),
            pltpu.VMEM_SHARED((N_ACC, H), jnp.float32),
            pltpu.VMEM_SHARED((N_ACC,), jnp.float32),
            pltpu.SemaphoreType.DMA,
            pltpu.SemaphoreType.DMA,
            pltpu.SemaphoreType.DMA,
        ],
    )
    return kern(h, e_pack)



def _tc_in_body(x_ref, pos_ref, wxt_ref, wpet_ref, b_ref, fr_ref, out_ref,
                outb_ref):
    pes = []
    for i in range(2):
        ang = pos_ref[:, i:i + 1] * fr_ref[...]
        pes.append(jnp.concatenate([jnp.sin(ang), jnp.cos(ang)], axis=1))
    pe = jnp.concatenate(pes, axis=1)
    h = _dot(x_ref[...], wxt_ref[...]) + _dot(pe, wpet_ref[...]) + b_ref[...]
    h = jnp.maximum(h, 0.0)
    out_ref[...] = h
    outb_ref[...] = h.astype(jnp.bfloat16)


def _tc_in(x, pos, wxt, wpet, b_in, freqs):
    grid = (N // BM,)
    return pl.pallas_call(
        _tc_in_body,
        grid=grid,
        in_specs=[
            pl.BlockSpec((BM, H), lambda i: (i, 0)),
            pl.BlockSpec((BM, 2), lambda i: (i, 0)),
            pl.BlockSpec((H, H), lambda i: (0, 0)),
            pl.BlockSpec((PE, H), lambda i: (0, 0)),
            pl.BlockSpec((1, H), lambda i: (0, 0)),
            pl.BlockSpec((1, PE // 4), lambda i: (0, 0)),
        ],
        out_specs=[pl.BlockSpec((BM, H), lambda i: (i, 0)),
                   pl.BlockSpec((BM, H), lambda i: (i, 0))],
        out_shape=[jax.ShapeDtypeStruct((N, H), jnp.float32),
                   jax.ShapeDtypeStruct((N, H), jnp.bfloat16)],
    )(x, pos, wxt, wpet, b_in, freqs)


def _tc_pre_body(h_ref, wrt_ref, bl_ref, out_ref):
    out_ref[...] = _dot(h_ref[...], wrt_ref[...]) + bl_ref[...]


def _tc_pre(h, wrt, bl):
    grid = (N // BM,)
    return pl.pallas_call(
        _tc_pre_body,
        grid=grid,
        in_specs=[
            pl.BlockSpec((BM, H), lambda i: (i, 0)),
            pl.BlockSpec((H, H), lambda i: (0, 0)),
            pl.BlockSpec((1, H), lambda i: (0, 0)),
        ],
        out_specs=pl.BlockSpec((BM, H), lambda i: (i, 0)),
        out_shape=jax.ShapeDtypeStruct((N, H), jnp.float32),
    )(h, wrt, bl)


def _layer_block(part_ref, degp_ref, h_ref, wlt_ref, rin_ref,
                 sc_ref, sh_ref):
    p = (part_ref[0].astype(jnp.float32)
         + part_ref[1].astype(jnp.float32))
    d = degp_ref[0] + degp_ref[1]
    agg = p * (1.0 / jnp.maximum(d, 1.0))
    s = _dot(agg, wlt_ref[...]) + rin_ref[...]
    s = s * sc_ref[...] + sh_ref[...]
    return jnp.maximum(s, 0.0) + h_ref[...]


def _tc_layer_body(part_ref, degp_ref, h_ref, wlt_ref, rin_ref,
                   sc_ref, sh_ref, out_ref, outb_ref):
    hn = _layer_block(part_ref, degp_ref, h_ref, wlt_ref, rin_ref,
                      sc_ref, sh_ref)
    out_ref[...] = hn
    outb_ref[...] = hn.astype(jnp.bfloat16)


def _layer_specs():
    return [
        pl.BlockSpec((NC, BM, H), lambda i: (0, i, 0)),
        pl.BlockSpec((NC, BM, 1), lambda i: (0, i, 0)),
        pl.BlockSpec((BM, H), lambda i: (i, 0)),
        pl.BlockSpec((H, H), lambda i: (0, 0)),
        pl.BlockSpec((BM, H), lambda i: (i, 0)),
        pl.BlockSpec((1, H), lambda i: (0, 0)),
        pl.BlockSpec((1, H), lambda i: (0, 0)),
    ]


def _tc_layer(part, degp, h, wlt, rin, bnsc, bnsh):
    grid = (N // BM,)
    return pl.pallas_call(
        _tc_layer_body,
        grid=grid,
        in_specs=_layer_specs(),
        out_specs=[pl.BlockSpec((BM, H), lambda i: (i, 0)),
                   pl.BlockSpec((BM, H), lambda i: (i, 0))],
        out_shape=[jax.ShapeDtypeStruct((N, H), jnp.float32),
                   jax.ShapeDtypeStruct((N, H), jnp.bfloat16)],
    )(part, degp, h, wlt, rin, bnsc, bnsh)


def _tc_final_body(part_ref, degp_ref, h_ref, wlt_ref, rin_ref,
                   sc_ref, sh_ref, wot_ref, bo_ref, out_ref, acc_ref):
    i = pl.program_id(0)

    @pl.when(i == 0)
    def _():
        acc_ref[...] = jnp.zeros_like(acc_ref)

    h3 = _layer_block(part_ref, degp_ref, h_ref, wlt_ref, rin_ref,
                      sc_ref, sh_ref)
    acc_ref[...] += jnp.sum(h3, axis=0, keepdims=True)

    @pl.when(i == pl.num_programs(0) - 1)
    def _():
        m = acc_ref[...] * (1.0 / N)
        out_ref[...] = _dot(m, wot_ref[...]) + bo_ref[...]


def _tc_final(part, degp, h, wlt, rin, bnsc, bnsh, wot, b_out):
    grid = (N // BM,)
    return pl.pallas_call(
        _tc_final_body,
        grid=grid,
        in_specs=_layer_specs() + [
            pl.BlockSpec((H, H), lambda i: (0, 0)),
            pl.BlockSpec((1, H), lambda i: (0, 0)),
        ],
        out_specs=pl.BlockSpec((1, H), lambda i: (0, 0)),
        out_shape=jax.ShapeDtypeStruct((1, H), jnp.float32),
        scratch_shapes=[pltpu.VMEM((1, H), jnp.float32)],
        compiler_params=pltpu.CompilerParams(
            dimension_semantics=("arbitrary",)),
    )(part, degp, h, wlt, rin, bnsc, bnsh, wot, b_out)



def kernel(x, edge_index, pos, W_in, b_in, Wl, bl, Wr, gamma, beta, rm, rv,
           W_out, b_out):
    src = edge_index[0]
    dst = edge_index[1]
    pad = E_PAD - E
    pad_idx = jnp.arange(pad, dtype=jnp.int32)
    src_pad = jnp.concatenate(
        [src, pad_idx % N]).reshape(NW, NCH, CH)
    dst_pad = jnp.concatenate(
        [dst, N + pad_idx % (N_ACC - N)]).reshape(NW, NCH, CH)
    e_pack = jnp.stack([src_pad, dst_pad], axis=2)

    perm = []
    for i in range(2):
        perm += [i * 16 + 2 * k for k in range(8)]
        perm += [i * 16 + 2 * k + 1 for k in range(8)]
    wxt = W_in[:, :128].T
    wpet = W_in[:, 128:][:, jnp.array(perm)].T
    freqs = jnp.linspace(1.0, 10.0, PE // 4).reshape(1, -1)

    bn_scale = gamma / jnp.sqrt(rv + 1e-5)
    bn_shift = beta - rm * bn_scale

    h, h_b = _tc_in(x, pos, wxt, wpet, b_in.reshape(1, H), freqs)

    degp = None
    for i in range(L):
        rin = _tc_pre(h, Wr[i].T, bl[i].reshape(1, H))
        part, degp0 = _sc_agg(h, e_pack, with_deg=(i == 0))
        if i == 0:
            degp = degp0.reshape(NC, N_ACC, 1)
        args = (part, degp, h, Wl[i].T, rin,
                bn_scale[i].reshape(1, H), bn_shift[i].reshape(1, H))
        if i < L - 1:
            h, h_b = _tc_layer(*args)
        else:
            out = _tc_final(*args, W_out.T, b_out.reshape(1, H))
    return out

# --- scband reference (transcript-rebuilt; emitter-appended) ---
"""Pipeline reference for scband-spatial-gnnencoder-83760452207323 (READ-ONLY COPY).

The authoritative reference and input builder live on the scoring server;
editing this copy changes nothing except your own understanding.
"""

import jax, jax.numpy as jnp
import numpy as np

N = 10000
E = 320000
D_IN = 128
PE = 32
H = 128
D_OUT = 128
L = 3


def setup_inputs(seed: int = 0) -> dict:
    key = jax.random.key(seed)
    ks = jax.random.split(key, 16)
    inp = {}
    inp['x'] = jax.random.normal(ks[0], (N, D_IN), dtype=jnp.float32)
    inp['edge_index'] = jax.random.randint(ks[1], (2, E), 0, N, dtype=jnp.int32)
    inp['pos'] = jax.random.uniform(ks[2], (N, 2), dtype=jnp.float32)
    # input projection Linear(D_IN+PE -> H)
    inp['W_in'] = jax.random.normal(ks[3], (H, D_IN + PE), dtype=jnp.float32) * 0.05
    inp['b_in'] = jnp.zeros((H,), jnp.float32)
    # 3 x SAGEConv(H -> H): out = lin_l(mean_agg) + lin_r(x), bias on lin_l only
    inp['Wl'] = jax.random.normal(ks[4], (L, H, H), dtype=jnp.float32) * 0.05
    inp['bl'] = jnp.zeros((L, H), jnp.float32)
    inp['Wr'] = jax.random.normal(ks[5], (L, H, H), dtype=jnp.float32) * 0.05
    # BatchNorm1d (eval mode) params/buffers per layer
    inp['gamma'] = jnp.ones((L, H), jnp.float32)
    inp['beta'] = jnp.zeros((L, H), jnp.float32)
    inp['rm'] = jnp.zeros((L, H), jnp.float32)
    inp['rv'] = jnp.ones((L, H), jnp.float32)
    # output projection Linear(H -> D_OUT)
    inp['W_out'] = jax.random.normal(ks[6], (D_OUT, H), dtype=jnp.float32) * 0.05
    inp['b_out'] = jnp.zeros((D_OUT,), jnp.float32)
    return inp


def _pos_encode(pos):
    # PositionalEncoder: coord_dim=2, embed_dim=32, max_freq=10 -> 8 freq bands
    freqs = jnp.linspace(1.0, 10.0, PE // 4)
    encs = []
    for i in range(2):
        c = pos[:, i:i + 1]
        ang = c * freqs[None, :]
        # interleave sin/cos per frequency: [sin f1, cos f1, sin f2, cos f2, ...]
        sc = jnp.stack([jnp.sin(ang), jnp.cos(ang)], axis=-1).reshape(pos.shape[0], -1)
        encs.append(sc)
    return jnp.concatenate(encs, axis=-1)


def reference(x, edge_index, pos, W_in, b_in, Wl, bl, Wr, gamma, beta, rm, rv, W_out, b_out):
    src = edge_index[0]
    dst = edge_index[1]
    pe = _pos_encode(pos)
    h = jnp.concatenate([x, pe], axis=-1) @ W_in.T + b_in
    h = jax.nn.relu(h)
    deg = jax.ops.segment_sum(jnp.ones((E,), jnp.float32), dst, num_segments=N)
    deg = jnp.maximum(deg, 1.0)
    for i in range(L):
        res = h
        # SAGEConv with mean aggregation
        agg = jax.ops.segment_sum(h[src], dst, num_segments=N) / deg[:, None]
        s = agg @ Wl[i].T + bl[i] + h @ Wr[i].T
        # BatchNorm1d in eval mode
        s = (s - rm[i]) / jnp.sqrt(rv[i] + 1e-5) * gamma[i] + beta[i]
        h = jax.nn.relu(s)
        h = h + res  # residual (dims match)
        # dropout p=0.0 -> identity
    out = h @ W_out.T + b_out
    return out.mean(axis=0, keepdims=True)

if __name__ == "__main__":
    import jax
    _d = setup_inputs()
    print(jax.jit(kernel)(*tuple(_d.values())))

</pallas_src>

<mosaic_0001>
#map = affine_map<(d0, d1) -> (0, 0)>
#map1 = affine_map<(d0, d1) -> (0, 0, 0, 0)>
#map2 = affine_map<(d0, d1) -> (0, 0, 0)>
module attributes {stable_mosaic.version = 14 : i64} {
  func.func @_sc_agg_body(%arg0: i32, %arg1: i32, %arg2: memref<10000x128xf32, #tpu.memory_space<hbm>>, %arg3: memref<32x80x2x128xi32, #tpu.memory_space<hbm>>, %arg4: memref<2x10240x128xf32, #tpu.memory_space<hbm>>, %arg5: memref<2x10240xf32, #tpu.memory_space<hbm>>, %arg6: memref<40x2x128xi32, #tpu.memory_space<vmem>>, %arg7: memref<2x128x128xf32, #tpu.memory_space<vmem>>, %arg8: memref<128xf32, #tpu.memory_space<vmem>>, %arg9: memref<128xf32, #tpu.memory_space<vmem>>, %arg10: memref<10240x128xf32, #tpu.memory_space<vmem_shared>>, %arg11: memref<10240xf32, #tpu.memory_space<vmem_shared>>, %arg12: memref<!tpu.dma_semaphore, #tpu.memory_space<semaphore_mem>>, %arg13: memref<!tpu.dma_semaphore, #tpu.memory_space<semaphore_mem>>, %arg14: memref<!tpu.dma_semaphore, #tpu.memory_space<semaphore_mem>>) attributes {dimension_semantics = [#tpu.dimension_semantics<core_parallel>, #tpu.dimension_semantics<subcore_parallel>], iteration_bounds = array<i64: 2, 16>, scalar_prefetch = 0 : i64, scratch_operands = 9 : i64, tpu.core_type = #tpu.core_type<sc_vector_subcore>, window_params = [{transform_indices = #map}, {transform_indices = #map1}, {transform_indices = #map2}, {transform_indices = #map}]} {
    %mul3A = arith.constant 2 : i32
    %mul3A_0 = arith.muli %arg1, %mul3A : i32
    %add3A = arith.addi %mul3A_0, %arg0 : i32
    %mul3A_1 = arith.constant 640 : i32
    %mul3A_2 = arith.muli %arg1, %mul3A_1 : i32
    "tpu.trace_start"() <{level = 10 : i32, message = "sc_zero"}> : () -> ()
    %scan3A = arith.constant 0 : i32
    %scan3A_3 = arith.constant 0 : i32
    %scan3A_4 = arith.constant 8 : i32
    %scan3A_5 = arith.addi %scan3A_3, %scan3A_4 : i32
    %scan3A_6 = arith.constant 1 : i32
    %scan3A_7 = scf.for %scan3A_302 = %scan3A_3 to %scan3A_5 step %scan3A_6 iter_args(%scan3A_303 = %scan3A) -> (i32)  : i32 {
      %broadcast_in_dim3A = arith.constant 1.000000e+00 : f32
      %broadcast_in_dim3A_304 = vector.broadcast %broadcast_in_dim3A : f32 to vector<16xf32>
      %mul3A_305 = arith.constant 16 : i32
      %mul3A_306 = arith.muli %scan3A_302, %mul3A_305 : i32
      %swap3A = arith.index_cast %mul3A_306 : i32 to index
      %swap3A_307 = tpu.vector_load %arg8[%swap3A] {strides = array<i32>} : memref<128xf32, #tpu.memory_space<vmem>>, vector<16xf32>,
      %swap3A_308 = vector.shape_cast %swap3A_307 : vector<16xf32> to vector<16xf32>
      %swap3A_309 = vector.shape_cast %broadcast_in_dim3A_304 : vector<16xf32> to vector<16xf32>
      tpu.vector_store %arg8[%swap3A], %swap3A_309 {strides = array<i32>} : memref<128xf32, #tpu.memory_space<vmem>>, vector<16xf32>,
      %broadcast_in_dim3A_310 = arith.constant 0.000000e+00 : f32
      %broadcast_in_dim3A_311 = vector.broadcast %broadcast_in_dim3A_310 : f32 to vector<16xf32>
      %mul3A_312 = arith.constant 16 : i32
      %mul3A_313 = arith.muli %scan3A_302, %mul3A_312 : i32
      %swap3A_314 = arith.index_cast %mul3A_313 : i32 to index
      %swap3A_315 = tpu.vector_load %arg9[%swap3A_314] {strides = array<i32>} : memref<128xf32, #tpu.memory_space<vmem>>, vector<16xf32>,
      %swap3A_316 = vector.shape_cast %swap3A_315 : vector<16xf32> to vector<16xf32>
      %swap3A_317 = vector.shape_cast %broadcast_in_dim3A_311 : vector<16xf32> to vector<16xf32>
      tpu.vector_store %arg9[%swap3A_314], %swap3A_317 {strides = array<i32>} : memref<128xf32, #tpu.memory_space<vmem>>, vector<16xf32>,
      %scan3A_318 = arith.constant 0 : i32
      scf.yield %scan3A_318 : i32
    }
    %scan3A_8 = arith.constant 8 : i32
    %scan3A_9 = arith.constant 0 : i32
    %scan3A_10 = arith.constant 0 : i32
    %scan3A_11 = arith.constant 1024 : i32
    %scan3A_12 = arith.addi %scan3A_10, %scan3A_11 : i32
    %scan3A_13 = arith.constant 1 : i32
    %scan3A_14 = scf.for %scan3A_302 = %scan3A_10 to %scan3A_12 step %scan3A_13 iter_args(%scan3A_303 = %scan3A_9) -> (i32)  : i32 {
      %jit3A = arith.constant 8 : i32
      %div3A = arith.divsi %scan3A_302, %jit3A : i32
      %sign3A = arith.constant 0 : i32
      %sign3A_304 = arith.cmpi sgt, %scan3A_302, %sign3A : i32
      %sign3A_305 = arith.extui %sign3A_304 : i1 to i32
      %sign3A_306 = arith.constant 0 : i32
      %sign3A_307 = arith.cmpi slt, %scan3A_302, %sign3A_306 : i32
      %sign3A_308 = arith.extui %sign3A_307 : i1 to i32
      %sign3A_309 = arith.subi %sign3A_305, %sign3A_308 : i32
      %sign3A_310 = arith.constant 0 : i32
      %sign3A_311 = arith.cmpi sgt, %jit3A, %sign3A_310 : i32
      %sign3A_312 = arith.extui %sign3A_311 : i1 to i32
      %sign3A_313 = arith.constant 0 : i32
      %sign3A_314 = arith.cmpi slt, %jit3A, %sign3A_313 : i32
      %sign3A_315 = arith.extui %sign3A_314 : i1 to i32
      %sign3A_316 = arith.subi %sign3A_312, %sign3A_315 : i32
      %ne3A = arith.cmpi ne, %sign3A_309, %sign3A_316 : i32
      %rem3A = arith.remsi %scan3A_302, %jit3A : i32
      %ne3A_317 = arith.constant 0 : i32
      %ne3A_318 = arith.cmpi ne, %rem3A, %ne3A_317 : i32
      %and3A = arith.andi %ne3A, %ne3A_318 : i1
      %sub3A = arith.constant 1 : i32
      %sub3A_319 = arith.subi %div3A, %sub3A : i32
      %select_n3A = arith.select %and3A, %sub3A_319, %div3A : i32
      %jit3A_320 = arith.constant 8 : i32
      %eq3A = arith.constant 0 : i32
      %eq3A_321 = arith.cmpi eq, %jit3A_320, %eq3A : i32
      %jit3A_322 = arith.constant 1 : i32
      %select_n3A_323 = arith.select %eq3A_321, %jit3A_322, %jit3A_320 : i32
      %rem3A_324 = arith.remsi %scan3A_302, %select_n3A_323 : i32
      %ne3A_325 = arith.constant 0 : i32
      %ne3A_326 = arith.cmpi ne, %rem3A_324, %ne3A_325 : i32
      %lt3A = arith.constant 0 : i32
      %lt3A_327 = arith.cmpi slt, %rem3A_324, %lt3A : i32
      %lt3A_328 = arith.constant 0 : i32
      %lt3A_329 = arith.cmpi slt, %select_n3A_323, %lt3A_328 : i32
      %ne3A_330 = arith.xori %lt3A_327, %lt3A_329 : i1
      %and3A_331 = arith.andi %ne3A_330, %ne3A_326 : i1
      %add3A_332 = arith.addi %rem3A_324, %select_n3A_323 : i32
      %select_n3A_333 = arith.select %and3A_331, %add3A_332, %rem3A_324 : i32
      %broadcast_in_dim3A = arith.constant 0.000000e+00 : f32
      %broadcast_in_dim3A_334 = vector.broadcast %broadcast_in_dim3A : f32 to vector<16xf32>
      %mul3A_335 = arith.constant 16 : i32
      %mul3A_336 = arith.muli %select_n3A_333, %mul3A_335 : i32
      %swap3A = arith.constant 0 : i32
      %swap3A_337 = arith.index_cast %swap3A : i32 to index
      %swap3A_338 = arith.index_cast %select_n3A : i32 to index
      %swap3A_339 = arith.index_cast %mul3A_336 : i32 to index
      %swap3A_340 = tpu.vector_load %arg7[%swap3A_337, %swap3A_338, %swap3A_339] {strides = array<i32>} : memref<2x128x128xf32, #tpu.memory_space<vmem>>, vector<1x1x16xf32>,
      %swap3A_341 = vector.shape_cast %swap3A_340 : vector<1x1x16xf32> to vector<16xf32>
      %swap3A_342 = vector.shape_cast %broadcast_in_dim3A_334 : vector<16xf32> to vector<1x1x16xf32>
      tpu.vector_store %arg7[%swap3A_337, %swap3A_338, %swap3A_339], %swap3A_342 {strides = array<i32>} : memref<2x128x128xf32, #tpu.memory_space<vmem>>, vector<1x1x16xf32>,
      %scan3A_343 = arith.constant 0 : i32
      scf.yield %scan3A_343 : i32
    }
    %scan3A_15 = arith.constant 1024 : i32
    %add3A_16 = arith.constant 0 : i32
    %add3A_17 = arith.addi %mul3A_2, %add3A_16 : i32
    %dma_start3A = arith.constant 0 : i32
    %dma_start3A_18 = arith.constant 0 : i32
    %dma_start3A_19 = arith.constant 0 : i32
    %dma_start3A_20 = tpu.memref_slice %arg7[%dma_start3A, %dma_start3A_18, %dma_start3A_19] : memref<2x128x128xf32, #tpu.memory_space<vmem>> -> memref<1x128x128xf32, #tpu.memory_space<vmem>>
    %dma_start3A_21 = tpu.memref_squeeze %dma_start3A_20 : memref<1x128x128xf32, #tpu.memory_space<vmem>> -> memref<128x128xf32, #tpu.memory_space<vmem>>
    %dma_start3A_22 = arith.constant 0 : i32
    %dma_start3A_23 = tpu.memref_slice %arg10[%add3A_17, %dma_start3A_22] : memref<10240x128xf32, #tpu.memory_space<vmem_shared>> -> memref<128x128xf32, #tpu.memory_space<vmem_shared>>
    %dma_start3A_24 = arith.constant 0 : i32
    %dma_start3A_25 = tpu.memref_slice %arg10[%add3A_17, %dma_start3A_24] : memref<10240x128xf32, #tpu.memory_space<vmem_shared>> -> memref<128x128xf32, #tpu.memory_space<vmem_shared>>
    %dma_start3A_26 = arith.constant 0 : i32
    %dma_start3A_27 = arith.constant 0 : i32
    %dma_start3A_28 = tpu.memref_slice %arg7[%dma_start3A, %dma_start3A_26, %dma_start3A_27] : memref<2x128x128xf32, #tpu.memory_space<vmem>> -> memref<1x128x128xf32, #tpu.memory_space<vmem>>
    %dma_start3A_29 = tpu.memref_squeeze %dma_start3A_28 : memref<1x128x128xf32, #tpu.memory_space<vmem>> -> memref<128x128xf32, #tpu.memory_space<vmem>>
    tpu.enqueue_dma source(%dma_start3A_29 : memref<128x128xf32, #tpu.memory_space<vmem>>) target(%dma_start3A_25 : memref<128x128xf32, #tpu.memory_space<vmem_shared>>) target_semaphore(%arg12 : memref<!tpu.dma_semaphore, #tpu.memory_space<semaphore_mem>>)
    %add3A_30 = arith.constant 0 : i32
    %add3A_31 = arith.addi %mul3A_2, %add3A_30 : i32
    %dma_start3A_32 = tpu.memref_slice %arg11[%add3A_31] : memref<10240xf32, #tpu.memory_space<vmem_shared>> -> memref<128xf32, #tpu.memory_space<vmem_shared>>
    %dma_start3A_33 = tpu.memref_slice %arg11[%add3A_31] : memref<10240xf32, #tpu.memory_space<vmem_shared>> -> memref<128xf32, #tpu.memory_space<vmem_shared>>
    tpu.enqueue_dma source(%arg9 : memref<128xf32, #tpu.memory_space<vmem>>) target(%dma_start3A_33 : memref<128xf32, #tpu.memory_space<vmem_shared>>) target_semaphore(%arg12 : memref<!tpu.dma_semaphore, #tpu.memory_space<semaphore_mem>>)
    %add3A_34 = arith.constant 128 : i32
    %add3A_35 = arith.addi %mul3A_2, %add3A_34 : i32
    %dma_start3A_36 = arith.constant 0 : i32
    %dma_start3A_37 = arith.constant 0 : i32
    %dma_start3A_38 = arith.constant 0 : i32
    %dma_start3A_39 = tpu.memref_slice %arg7[%dma_start3A_36, %dma_start3A_37, %dma_start3A_38] : memref<2x128x128xf32, #tpu.memory_space<vmem>> -> memref<1x128x128xf32, #tpu.memory_space<vmem>>
    %dma_start3A_40 = tpu.memref_squeeze %dma_start3A_39 : memref<1x128x128xf32, #tpu.memory_space<vmem>> -> memref<128x128xf32, #tpu.memory_space<vmem>>
    %dma_start3A_41 = arith.constant 0 : i32
    %dma_start3A_42 = tpu.memref_slice %arg10[%add3A_35, %dma_start3A_41] : memref<10240x128xf32, #tpu.memory_space<vmem_shared>> -> memref<128x128xf32, #tpu.memory_space<vmem_shared>>
    %dma_start3A_43 = arith.constant 0 : i32
    %dma_start3A_44 = tpu.memref_slice %arg10[%add3A_35, %dma_start3A_43] : memref<10240x128xf32, #tpu.memory_space<vmem_shared>> -> memref<128x128xf32, #tpu.memory_space<vmem_shared>>
    %dma_start3A_45 = arith.constant 0 : i32
    %dma_start3A_46 = arith.constant 0 : i32
    %dma_start3A_47 = tpu.memref_slice %arg7[%dma_start3A_36, %dma_start3A_45, %dma_start3A_46] : memref<2x128x128xf32, #tpu.memory_space<vmem>> -> memref<1x128x128xf32, #tpu.memory_space<vmem>>
    %dma_start3A_48 = tpu.memref_squeeze %dma_start3A_47 : memref<1x128x128xf32, #tpu.memory_space<vmem>> -> memref<128x128xf32, #tpu.memory_space<vmem>>
    tpu.enqueue_dma source(%dma_start3A_48 : memref<128x128xf32, #tpu.memory_space<vmem>>) target(%dma_start3A_44 : memref<128x128xf32, #tpu.memory_space<vmem_shared>>) target_semaphore(%arg12 : memref<!tpu.dma_semaphore, #tpu.memory_space<semaphore_mem>>)
    %add3A_49 = arith.constant 128 : i32
    %add3A_50 = arith.addi %mul3A_2, %add3A_49 : i32
    %dma_start3A_51 = tpu.memref_slice %arg11[%add3A_50] : memref<10240xf32, #tpu.memory_space<vmem_shared>> -> memref<128xf32, #tpu.memory_space<vmem_shared>>
    %dma_start3A_52 = tpu.memref_slice %arg11[%add3A_50] : memref<10240xf32, #tpu.memory_space<vmem_shared>> -> memref<128xf32, #tpu.memory_space<vmem_shared>>
    tpu.enqueue_dma source(%arg9 : memref<128xf32, #tpu.memory_space<vmem>>) target(%dma_start3A_52 : memref<128xf32, #tpu.memory_space<vmem_shared>>) target_semaphore(%arg12 : memref<!tpu.dma_semaphore, #tpu.memory_space<semaphore_mem>>)
    %add3A_53 = arith.constant 256 : i32
    %add3A_54 = arith.addi %mul3A_2, %add3A_53 : i32
    %dma_start3A_55 = arith.constant 0 : i32
    %dma_start3A_56 = arith.constant 0 : i32
    %dma_start3A_57 = arith.constant 0 : i32
    %dma_start3A_58 = tpu.memref_slice %arg7[%dma_start3A_55, %dma_start3A_56, %dma_start3A_57] : memref<2x128x128xf32, #tpu.memory_space<vmem>> -> memref<1x128x128xf32, #tpu.memory_space<vmem>>
    %dma_start3A_59 = tpu.memref_squeeze %dma_start3A_58 : memref<1x128x128xf32, #tpu.memory_space<vmem>> -> memref<128x128xf32, #tpu.memory_space<vmem>>
    %dma_start3A_60 = arith.constant 0 : i32
    %dma_start3A_61 = tpu.memref_slice %arg10[%add3A_54, %dma_start3A_60] : memref<10240x128xf32, #tpu.memory_space<vmem_shared>> -> memref<128x128xf32, #tpu.memory_space<vmem_shared>>
    %dma_start3A_62 = arith.constant 0 : i32
    %dma_start3A_63 = tpu.memref_slice %arg10[%add3A_54, %dma_start3A_62] : memref<10240x128xf32, #tpu.memory_space<vmem_shared>> -> memref<128x128xf32, #tpu.memory_space<vmem_shared>>
    %dma_start3A_64 = arith.constant 0 : i32
    %dma_start3A_65 = arith.constant 0 : i32
    %dma_start3A_66 = tpu.memref_slice %arg7[%dma_start3A_55, %dma_start3A_64, %dma_start3A_65] : memref<2x128x128xf32, #tpu.memory_space<vmem>> -> memref<1x128x128xf32, #tpu.memory_space<vmem>>
    %dma_start3A_67 = tpu.memref_squeeze %dma_start3A_66 : memref<1x128x128xf32, #tpu.memory_space<vmem>> -> memref<128x128xf32, #tpu.memory_space<vmem>>
    tpu.enqueue_dma source(%dma_start3A_67 : memref<128x128xf32, #tpu.memory_space<vmem>>) target(%dma_start3A_63 : memref<128x128xf32, #tpu.memory_space<vmem_shared>>) target_semaphore(%arg12 : memref<!tpu.dma_semaphore, #tpu.memory_space<semaphore_mem>>)
    %add3A_68 = arith.constant 256 : i32
    %add3A_69 = arith.addi %mul3A_2, %add3A_68 : i32
    %dma_start3A_70 = tpu.memref_slice %arg11[%add3A_69] : memref<10240xf32, #tpu.memory_space<vmem_shared>> -> memref<128xf32, #tpu.memory_space<vmem_shared>>
    %dma_start3A_71 = tpu.memref_slice %arg11[%add3A_69] : memref<10240xf32, #tpu.memory_space<vmem_shared>> -> memref<128xf32, #tpu.memory_space<vmem_shared>>
    tpu.enqueue_dma source(%arg9 : memref<128xf32, #tpu.memory_space<vmem>>) target(%dma_start3A_71 : memref<128xf32, #tpu.memory_space<vmem_shared>>) target_semaphore(%arg12 : memref<!tpu.dma_semaphore, #tpu.memory_space<semaphore_mem>>)
    %add3A_72 = arith.constant 384 : i32
    %add3A_73 = arith.addi %mul3A_2, %add3A_72 : i32
    %dma_start3A_74 = arith.constant 0 : i32
    %dma_start3A_75 = arith.constant 0 : i32
    %dma_start3A_76 = arith.constant 0 : i32
    %dma_start3A_77 = tpu.memref_slice %arg7[%dma_start3A_74, %dma_start3A_75, %dma_start3A_76] : memref<2x128x128xf32, #tpu.memory_space<vmem>> -> memref<1x128x128xf32, #tpu.memory_space<vmem>>
    %dma_start3A_78 = tpu.memref_squeeze %dma_start3A_77 : memref<1x128x128xf32, #tpu.memory_space<vmem>> -> memref<128x128xf32, #tpu.memory_space<vmem>>
    %dma_start3A_79 = arith.constant 0 : i32
    %dma_start3A_80 = tpu.memref_slice %arg10[%add3A_73, %dma_start3A_79] : memref<10240x128xf32, #tpu.memory_space<vmem_shared>> -> memref<128x128xf32, #tpu.memory_space<vmem_shared>>
    %dma_start3A_81 = arith.constant 0 : i32
    %dma_start3A_82 = tpu.memref_slice %arg10[%add3A_73, %dma_start3A_81] : memref<10240x128xf32, #tpu.memory_space<vmem_shared>> -> memref<128x128xf32, #tpu.memory_space<vmem_shared>>
    %dma_start3A_83 = arith.constant 0 : i32
    %dma_start3A_84 = arith.constant 0 : i32
    %dma_start3A_85 = tpu.memref_slice %arg7[%dma_start3A_74, %dma_start3A_83, %dma_start3A_84] : memref<2x128x128xf32, #tpu.memory_space<vmem>> -> memref<1x128x128xf32, #tpu.memory_space<vmem>>
    %dma_start3A_86 = tpu.memref_squeeze %dma_start3A_85 : memref<1x128x128xf32, #tpu.memory_space<vmem>> -> memref<128x128xf32, #tpu.memory_space<vmem>>
    tpu.enqueue_dma source(%dma_start3A_86 : memref<128x128xf32, #tpu.memory_space<vmem>>) target(%dma_start3A_82 : memref<128x128xf32, #tpu.memory_space<vmem_shared>>) target_semaphore(%arg12 : memref<!tpu.dma_semaphore, #tpu.memory_space<semaphore_mem>>)
    %add3A_87 = arith.constant 384 : i32
    %add3A_88 = arith.addi %mul3A_2, %add3A_87 : i32
    %dma_start3A_89 = tpu.memref_slice %arg11[%add3A_88] : memref<10240xf32, #tpu.memory_space<vmem_shared>> -> memref<128xf32, #tpu.memory_space<vmem_shared>>
    %dma_start3A_90 = tpu.memref_slice %arg11[%add3A_88] : memref<10240xf32, #tpu.memory_space<vmem_shared>> -> memref<128xf32, #tpu.memory_space<vmem_shared>>
    tpu.enqueue_dma source(%arg9 : memref<128xf32, #tpu.memory_space<vmem>>) target(%dma_start3A_90 : memref<128xf32, #tpu.memory_space<vmem_shared>>) target_semaphore(%arg12 : memref<!tpu.dma_semaphore, #tpu.memory_space<semaphore_mem>>)
    %add3A_91 = arith.constant 512 : i32
    %add3A_92 = arith.addi %mul3A_2, %add3A_91 : i32
    %dma_start3A_93 = arith.constant 0 : i32
    %dma_start3A_94 = arith.constant 0 : i32
    %dma_start3A_95 = arith.constant 0 : i32
    %dma_start3A_96 = tpu.memref_slice %arg7[%dma_start3A_93, %dma_start3A_94, %dma_start3A_95] : memref<2x128x128xf32, #tpu.memory_space<vmem>> -> memref<1x128x128xf32, #tpu.memory_space<vmem>>
    %dma_start3A_97 = tpu.memref_squeeze %dma_start3A_96 : memref<1x128x128xf32, #tpu.memory_space<vmem>> -> memref<128x128xf32, #tpu.memory_space<vmem>>
    %dma_start3A_98 = arith.constant 0 : i32
    %dma_start3A_99 = tpu.memref_slice %arg10[%add3A_92, %dma_start3A_98] : memref<10240x128xf32, #tpu.memory_space<vmem_shared>> -> memref<128x128xf32, #tpu.memory_space<vmem_shared>>
    %dma_start3A_100 = arith.constant 0 : i32
    %dma_start3A_101 = tpu.memref_slice %arg10[%add3A_92, %dma_start3A_100] : memref<10240x128xf32, #tpu.memory_space<vmem_shared>> -> memref<128x128xf32, #tpu.memory_space<vmem_shared>>
    %dma_start3A_102 = arith.constant 0 : i32
    %dma_start3A_103 = arith.constant 0 : i32
    %dma_start3A_104 = tpu.memref_slice %arg7[%dma_start3A_93, %dma_start3A_102, %dma_start3A_103] : memref<2x128x128xf32, #tpu.memory_space<vmem>> -> memref<1x128x128xf32, #tpu.memory_space<vmem>>
    %dma_start3A_105 = tpu.memref_squeeze %dma_start3A_104 : memref<1x128x128xf32, #tpu.memory_space<vmem>> -> memref<128x128xf32, #tpu.memory_space<vmem>>
    tpu.enqueue_dma source(%dma_start3A_105 : memref<128x128xf32, #tpu.memory_space<vmem>>) target(%dma_start3A_101 : memref<128x128xf32, #tpu.memory_space<vmem_shared>>) target_semaphore(%arg12 : memref<!tpu.dma_semaphore, #tpu.memory_space<semaphore_mem>>)
    %add3A_106 = arith.constant 512 : i32
    %add3A_107 = arith.addi %mul3A_2, %add3A_106 : i32
    %dma_start3A_108 = tpu.memref_slice %arg11[%add3A_107] : memref<10240xf32, #tpu.memory_space<vmem_shared>> -> memref<128xf32, #tpu.memory_space<vmem_shared>>
    %dma_start3A_109 = tpu.memref_slice %arg11[%add3A_107] : memref<10240xf32, #tpu.memory_space<vmem_shared>> -> memref<128xf32, #tpu.memory_space<vmem_shared>>
    tpu.enqueue_dma source(%arg9 : memref<128xf32, #tpu.memory_space<vmem>>) target(%dma_start3A_109 : memref<128xf32, #tpu.memory_space<vmem_shared>>) target_semaphore(%arg12 : memref<!tpu.dma_semaphore, #tpu.memory_space<semaphore_mem>>)
    %dma_wait3A = arith.constant 0 : i32
    %dma_wait3A_110 = arith.constant 0 : i32
    %dma_wait3A_111 = arith.constant 0 : i32
    %dma_wait3A_112 = tpu.memref_slice %arg7[%dma_wait3A, %dma_wait3A_110, %dma_wait3A_111] : memref<2x128x128xf32, #tpu.memory_space<vmem>> -> memref<1x128x128xf32, #tpu.memory_space<vmem>>
    %dma_wait3A_113 = tpu.memref_squeeze %dma_wait3A_112 : memref<1x128x128xf32, #tpu.memory_space<vmem>> -> memref<128x128xf32, #tpu.memory_space<vmem>>
    %dma_wait3A_114 = arith.constant 0 : i32
    %dma_wait3A_115 = tpu.memref_slice %arg10[%add3A_17, %dma_wait3A_114] : memref<10240x128xf32, #tpu.memory_space<vmem_shared>> -> memref<128x128xf32, #tpu.memory_space<vmem_shared>>
    %dma_wait3A_116 = arith.constant 0 : i32
    %dma_wait3A_117 = tpu.memref_slice %arg10[%add3A_17, %dma_wait3A_116] : memref<10240x128xf32, #tpu.memory_space<vmem_shared>> -> memref<128x128xf32, #tpu.memory_space<vmem_shared>>
    %dma_wait3A_118 = arith.constant 0 : i32
    %dma_wait3A_119 = arith.constant 0 : i32
    %dma_wait3A_120 = tpu.memref_slice %arg7[%dma_wait3A, %dma_wait3A_118, %dma_wait3A_119] : memref<2x128x128xf32, #tpu.memory_space<vmem>> -> memref<1x128x128xf32, #tpu.memory_space<vmem>>
    %dma_wait3A_121 = tpu.memref_squeeze %dma_wait3A_120 : memref<1x128x128xf32, #tpu.memory_space<vmem>> -> memref<128x128xf32, #tpu.memory_space<vmem>>
    tpu.wait_dma2 semaphore(%arg12 : memref<!tpu.dma_semaphore, #tpu.memory_space<semaphore_mem>>) src(%dma_wait3A_121 : memref<128x128xf32, #tpu.memory_space<vmem>>) dst(%dma_wait3A_117 : memref<128x128xf32, #tpu.memory_space<vmem_shared>>)
    %dma_wait3A_122 = tpu.memref_slice %arg11[%add3A_31] : memref<10240xf32, #tpu.memory_space<vmem_shared>> -> memref<128xf32, #tpu.memory_space<vmem_shared>>
    %dma_wait3A_123 = tpu.memref_slice %arg11[%add3A_31] : memref<10240xf32, #tpu.memory_space<vmem_shared>> -> memref<128xf32, #tpu.memory_space<vmem_shared>>
    tpu.wait_dma2 semaphore(%arg12 : memref<!tpu.dma_semaphore, #tpu.memory_space<semaphore_mem>>) src(%arg9 : memref<128xf32, #tpu.memory_space<vmem>>) dst(%dma_wait3A_123 : memref<128xf32, #tpu.memory_space<vmem_shared>>)
    %dma_wait3A_124 = arith.constant 0 : i32
    %dma_wait3A_125 = arith.constant 0 : i32
    %dma_wait3A_126 = arith.constant 0 : i32
    %dma_wait3A_127 = tpu.memref_slice %arg7[%dma_wait3A_124, %dma_wait3A_125, %dma_wait3A_126] : memref<2x128x128xf32, #tpu.memory_space<vmem>> -> memref<1x128x128xf32, #tpu.memory_space<vmem>>
    %dma_wait3A_128 = tpu.memref_squeeze %dma_wait3A_127 : memref<1x128x128xf32, #tpu.memory_space<vmem>> -> memref<128x128xf32, #tpu.memory_space<vmem>>
    %dma_wait3A_129 = arith.constant 0 : i32
    %dma_wait3A_130 = tpu.memref_slice %arg10[%add3A_35, %dma_wait3A_129] : memref<10240x128xf32, #tpu.memory_space<vmem_shared>> -> memref<128x128xf32, #tpu.memory_space<vmem_shared>>
    %dma_wait3A_131 = arith.constant 0 : i32
    %dma_wait3A_132 = tpu.memref_slice %arg10[%add3A_35, %dma_wait3A_131] : memref<10240x128xf32, #tpu.memory_space<vmem_shared>> -> memref<128x128xf32, #tpu.memory_space<vmem_shared>>
    %dma_wait3A_133 = arith.constant 0 : i32
    %dma_wait3A_134 = arith.constant 0 : i32
    %dma_wait3A_135 = tpu.memref_slice %arg7[%dma_wait3A_124, %dma_wait3A_133, %dma_wait3A_134] : memref<2x128x128xf32, #tpu.memory_space<vmem>> -> memref<1x128x128xf32, #tpu.memory_space<vmem>>
    %dma_wait3A_136 = tpu.memref_squeeze %dma_wait3A_135 : memref<1x128x128xf32, #tpu.memory_space<vmem>> -> memref<128x128xf32, #tpu.memory_space<vmem>>
    tpu.wait_dma2 semaphore(%arg12 : memref<!tpu.dma_semaphore, #tpu.memory_space<semaphore_mem>>) src(%dma_wait3A_136 : memref<128x128xf32, #tpu.memory_space<vmem>>) dst(%dma_wait3A_132 : memref<128x128xf32, #tpu.memory_space<vmem_shared>>)
    %dma_wait3A_137 = tpu.memref_slice %arg11[%add3A_50] : memref<10240xf32, #tpu.memory_space<vmem_shared>> -> memref<128xf32, #tpu.memory_space<vmem_shared>>
    %dma_wait3A_138 = tpu.memref_slice %arg11[%add3A_50] : memref<10240xf32, #tpu.memory_space<vmem_shared>> -> memref<128xf32, #tpu.memory_space<vmem_shared>>
    tpu.wait_dma2 semaphore(%arg12 : memref<!tpu.dma_semaphore, #tpu.memory_space<semaphore_mem>>) src(%arg9 : memref<128xf32, #tpu.memory_space<vmem>>) dst(%dma_wait3A_138 : memref<128xf32, #tpu.memory_space<vmem_shared>>)
    %dma_wait3A_139 = arith.constant 0 : i32
    %dma_wait3A_140 = arith.constant 0 : i32
    %dma_wait3A_141 = arith.constant 0 : i32
    %dma_wait3A_142 = tpu.memref_slice %arg7[%dma_wait3A_139, %dma_wait3A_140, %dma_wait3A_141] : memref<2x128x128xf32, #tpu.memory_space<vmem>> -> memref<1x128x128xf32, #tpu.memory_space<vmem>>
    %dma_wait3A_143 = tpu.memref_squeeze %dma_wait3A_142 : memref<1x128x128xf32, #tpu.memory_space<vmem>> -> memref<128x128xf32, #tpu.memory_space<vmem>>
    %dma_wait3A_144 = arith.constant 0 : i32
    %dma_wait3A_145 = tpu.memref_slice %arg10[%add3A_54, %dma_wait3A_144] : memref<10240x128xf32, #tpu.memory_space<vmem_shared>> -> memref<128x128xf32, #tpu.memory_space<vmem_shared>>
    %dma_wait3A_146 = arith.constant 0 : i32
    %dma_wait3A_147 = tpu.memref_slice %arg10[%add3A_54, %dma_wait3A_146] : memref<10240x128xf32, #tpu.memory_space<vmem_shared>> -> memref<128x128xf32, #tpu.memory_space<vmem_shared>>
    %dma_wait3A_148 = arith.constant 0 : i32
    %dma_wait3A_149 = arith.constant 0 : i32
    %dma_wait3A_150 = tpu.memref_slice %arg7[%dma_wait3A_139, %dma_wait3A_148, %dma_wait3A_149] : memref<2x128x128xf32, #tpu.memory_space<vmem>> -> memref<1x128x128xf32, #tpu.memory_space<vmem>>
    %dma_wait3A_151 = tpu.memref_squeeze %dma_wait3A_150 : memref<1x128x128xf32, #tpu.memory_space<vmem>> -> memref<128x128xf32, #tpu.memory_space<vmem>>
    tpu.wait_dma2 semaphore(%arg12 : memref<!tpu.dma_semaphore, #tpu.memory_space<semaphore_mem>>) src(%dma_wait3A_151 : memref<128x128xf32, #tpu.memory_space<vmem>>) dst(%dma_wait3A_147 : memref<128x128xf32, #tpu.memory_space<vmem_shared>>)
    %dma_wait3A_152 = tpu.memref_slice %arg11[%add3A_69] : memref<10240xf32, #tpu.memory_space<vmem_shared>> -> memref<128xf32, #tpu.memory_space<vmem_shared>>
    %dma_wait3A_153 = tpu.memref_slice %arg11[%add3A_69] : memref<10240xf32, #tpu.memory_space<vmem_shared>> -> memref<128xf32, #tpu.memory_space<vmem_shared>>
    tpu.wait_dma2 semaphore(%arg12 : memref<!tpu.dma_semaphore, #tpu.memory_space<semaphore_mem>>) src(%arg9 : memref<128xf32, #tpu.memory_space<vmem>>) dst(%dma_wait3A_153 : memref<128xf32, #tpu.memory_space<vmem_shared>>)
    %dma_wait3A_154 = arith.constant 0 : i32
    %dma_wait3A_155 = arith.constant 0 : i32
    %dma_wait3A_156 = arith.constant 0 : i32
    %dma_wait3A_157 = tpu.memref_slice %arg7[%dma_wait3A_154, %dma_wait3A_155, %dma_wait3A_156] : memref<2x128x128xf32, #tpu.memory_space<vmem>> -> memref<1x128x128xf32, #tpu.memory_space<vmem>>
    %dma_wait3A_158 = tpu.memref_squeeze %dma_wait3A_157 : memref<1x128x128xf32, #tpu.memory_space<vmem>> -> memref<128x128xf32, #tpu.memory_space<vmem>>
    %dma_wait3A_159 = arith.constant 0 : i32
    %dma_wait3A_160 = tpu.memref_slice %arg10[%add3A_73, %dma_wait3A_159] : memref<10240x128xf32, #tpu.memory_space<vmem_shared>> -> memref<128x128xf32, #tpu.memory_space<vmem_shared>>
    %dma_wait3A_161 = arith.constant 0 : i32
    %dma_wait3A_162 = tpu.memref_slice %arg10[%add3A_73, %dma_wait3A_161] : memref<10240x128xf32, #tpu.memory_space<vmem_shared>> -> memref<128x128xf32, #tpu.memory_space<vmem_shared>>
    %dma_wait3A_163 = arith.constant 0 : i32
    %dma_wait3A_164 = arith.constant 0 : i32
    %dma_wait3A_165 = tpu.memref_slice %arg7[%dma_wait3A_154, %dma_wait3A_163, %dma_wait3A_164] : memref<2x128x128xf32, #tpu.memory_space<vmem>> -> memref<1x128x128xf32, #tpu.memory_space<vmem>>
    %dma_wait3A_166 = tpu.memref_squeeze %dma_wait3A_165 : memref<1x128x128xf32, #tpu.memory_space<vmem>> -> memref<128x128xf32, #tpu.memory_space<vmem>>
    tpu.wait_dma2 semaphore(%arg12 : memref<!tpu.dma_semaphore, #tpu.memory_space<semaphore_mem>>) src(%dma_wait3A_166 : memref<128x128xf32, #tpu.memory_space<vmem>>) dst(%dma_wait3A_162 : memref<128x128xf32, #tpu.memory_space<vmem_shared>>)
    %dma_wait3A_167 = tpu.memref_slice %arg11[%add3A_88] : memref<10240xf32, #tpu.memory_space<vmem_shared>> -> memref<128xf32, #tpu.memory_space<vmem_shared>>
    %dma_wait3A_168 = tpu.memref_slice %arg11[%add3A_88] : memref<10240xf32, #tpu.memory_space<vmem_shared>> -> memref<128xf32, #tpu.memory_space<vmem_shared>>
    tpu.wait_dma2 semaphore(%arg12 : memref<!tpu.dma_semaphore, #tpu.memory_space<semaphore_mem>>) src(%arg9 : memref<128xf32, #tpu.memory_space<vmem>>) dst(%dma_wait3A_168 : memref<128xf32, #tpu.memory_space<vmem_shared>>)
    %dma_wait3A_169 = arith.constant 0 : i32
    %dma_wait3A_170 = arith.constant 0 : i32
    %dma_wait3A_171 = arith.constant 0 : i32
    %dma_wait3A_172 = tpu.memref_slice %arg7[%dma_wait3A_169, %dma_wait3A_170, %dma_wait3A_171] : memref<2x128x128xf32, #tpu.memory_space<vmem>> -> memref<1x128x128xf32, #tpu.memory_space<vmem>>
    %dma_wait3A_173 = tpu.memref_squeeze %dma_wait3A_172 : memref<1x128x128xf32, #tpu.memory_space<vmem>> -> memref<128x128xf32, #tpu.memory_space<vmem>>
    %dma_wait3A_174 = arith.constant 0 : i32
    %dma_wait3A_175 = tpu.memref_slice %arg10[%add3A_92, %dma_wait3A_174] : memref<10240x128xf32, #tpu.memory_space<vmem_shared>> -> memref<128x128xf32, #tpu.memory_space<vmem_shared>>
    %dma_wait3A_176 = arith.constant 0 : i32
    %dma_wait3A_177 = tpu.memref_slice %arg10[%add3A_92, %dma_wait3A_176] : memref<10240x128xf32, #tpu.memory_space<vmem_shared>> -> memref<128x128xf32, #tpu.memory_space<vmem_shared>>
    %dma_wait3A_178 = arith.constant 0 : i32
    %dma_wait3A_179 = arith.constant 0 : i32
    %dma_wait3A_180 = tpu.memref_slice %arg7[%dma_wait3A_169, %dma_wait3A_178, %dma_wait3A_179] : memref<2x128x128xf32, #tpu.memory_space<vmem>> -> memref<1x128x128xf32, #tpu.memory_space<vmem>>
    %dma_wait3A_181 = tpu.memref_squeeze %dma_wait3A_180 : memref<1x128x128xf32, #tpu.memory_space<vmem>> -> memref<128x128xf32, #tpu.memory_space<vmem>>
    tpu.wait_dma2 semaphore(%arg12 : memref<!tpu.dma_semaphore, #tpu.memory_space<semaphore_mem>>) src(%dma_wait3A_181 : memref<128x128xf32, #tpu.memory_space<vmem>>) dst(%dma_wait3A_177 : memref<128x128xf32, #tpu.memory_space<vmem_shared>>)
    %dma_wait3A_182 = tpu.memref_slice %arg11[%add3A_107] : memref<10240xf32, #tpu.memory_space<vmem_shared>> -> memref<128xf32, #tpu.memory_space<vmem_shared>>
    %dma_wait3A_183 = tpu.memref_slice %arg11[%add3A_107] : memref<10240xf32, #tpu.memory_space<vmem_shared>> -> memref<128xf32, #tpu.memory_space<vmem_shared>>
    tpu.wait_dma2 semaphore(%arg12 : memref<!tpu.dma_semaphore, #tpu.memory_space<semaphore_mem>>) src(%arg9 : memref<128xf32, #tpu.memory_space<vmem>>) dst(%dma_wait3A_183 : memref<128xf32, #tpu.memory_space<vmem_shared>>)
    "tpu.trace_stop"() : () -> ()
    %barrier3A = arith.constant 0 : index
    tpu.barrier barrier_id(%barrier3A)
    "tpu.trace_start"() <{level = 10 : i32, message = "sc_edges"}> : () -> ()
    %scan3A_184 = arith.constant 0 : i32
    %scan3A_185 = arith.constant 0 : i32
    %scan3A_186 = arith.constant 2 : i32
    %scan3A_187 = arith.addi %scan3A_185, %scan3A_186 : i32
    %scan3A_188 = arith.constant 1 : i32
    %scan3A_189 = scf.for %scan3A_302 = %scan3A_185 to %scan3A_187 step %scan3A_188 iter_args(%scan3A_303 = %scan3A_184) -> (i32)  : i32 {
      %mul3A_304 = arith.constant 40 : i32
      %mul3A_305 = arith.muli %scan3A_302, %mul3A_304 : i32
      "tpu.region"() ({
        %run_scoped3A = tpu.sem_alloc : memref<!tpu.dma_semaphore, #tpu.memory_space<semaphore_mem>>
        %dma_start3A_314 = arith.constant 0 : i32
        %dma_start3A_315 = arith.constant 0 : i32
        %dma_start3A_316 = tpu.memref_slice %arg3[%add3A, %mul3A_305, %dma_start3A_314, %dma_start3A_315] : memref<32x80x2x128xi32, #tpu.memory_space<hbm>> -> memref<1x40x2x128xi32, #tpu.memory_space<hbm>>
        %dma_start3A_317 = tpu.memref_squeeze %dma_start3A_316 : memref<1x40x2x128xi32, #tpu.memory_space<hbm>> -> memref<40x2x128xi32, #tpu.memory_space<hbm>>
        %dma_start3A_318 = arith.constant 0 : i32
        %dma_start3A_319 = arith.constant 0 : i32
        %dma_start3A_320 = tpu.memref_slice %arg3[%add3A, %mul3A_305, %dma_start3A_318, %dma_start3A_319] : memref<32x80x2x128xi32, #tpu.memory_space<hbm>> -> memref<1x40x2x128xi32, #tpu.memory_space<hbm>>
        %dma_start3A_321 = tpu.memref_squeeze %dma_start3A_320 : memref<1x40x2x128xi32, #tpu.memory_space<hbm>> -> memref<40x2x128xi32, #tpu.memory_space<hbm>>
        tpu.enqueue_dma source(%dma_start3A_321 : memref<40x2x128xi32, #tpu.memory_space<hbm>>) target(%arg6 : memref<40x2x128xi32, #tpu.memory_space<vmem>>) target_semaphore(%run_scoped3A : memref<!tpu.dma_semaphore, #tpu.memory_space<semaphore_mem>>)
        %dma_wait3A_322 = arith.constant 0 : i32
        %dma_wait3A_323 = arith.constant 0 : i32
        %dma_wait3A_324 = tpu.memref_slice %arg3[%add3A, %mul3A_305, %dma_wait3A_322, %dma_wait3A_323] : memref<32x80x2x128xi32, #tpu.memory_space<hbm>> -> memref<1x40x2x128xi32, #tpu.memory_space<hbm>>
        %dma_wait3A_325 = tpu.memref_squeeze %dma_wait3A_324 : memref<1x40x2x128xi32, #tpu.memory_space<hbm>> -> memref<40x2x128xi32, #tpu.memory_space<hbm>>
        %dma_wait3A_326 = arith.constant 0 : i32
        %dma_wait3A_327 = arith.constant 0 : i32
        %dma_wait3A_328 = tpu.memref_slice %arg3[%add3A, %mul3A_305, %dma_wait3A_326, %dma_wait3A_327] : memref<32x80x2x128xi32, #tpu.memory_space<hbm>> -> memref<1x40x2x128xi32, #tpu.memory_space<hbm>>
        %dma_wait3A_329 = tpu.memref_squeeze %dma_wait3A_328 : memref<1x40x2x128xi32, #tpu.memory_space<hbm>> -> memref<40x2x128xi32, #tpu.memory_space<hbm>>
        tpu.wait_dma2 semaphore(%run_scoped3A : memref<!tpu.dma_semaphore, #tpu.memory_space<semaphore_mem>>) src(%dma_wait3A_329 : memref<40x2x128xi32, #tpu.memory_space<hbm>>) dst(%arg6 : memref<40x2x128xi32, #tpu.memory_space<vmem>>)
        tpu.yield
      }) : () -> ()
      %scan3A_306 = arith.constant 0 : i32
      %scan3A_307 = arith.constant 0 : i32
      %scan3A_308 = arith.constant 20 : i32
      %scan3A_309 = arith.addi %scan3A_307, %scan3A_308 : i32
      %scan3A_310 = arith.constant 1 : i32
      %scan3A_311 = scf.for %scan3A_314 = %scan3A_307 to %scan3A_309 step %scan3A_310 iter_args(%scan3A_315 = %scan3A_306) -> (i32)  : i32 {
        %mul3A_316 = arith.constant 20 : i32
        %mul3A_317 = arith.muli %scan3A_302, %mul3A_316 : i32
        %add3A_318 = arith.addi %mul3A_317, %scan3A_314 : i32
        %gt3A = arith.constant 0 : i32
        %gt3A_319 = arith.cmpi sgt, %add3A_318, %gt3A : i32
        %convert_element_type3A = arith.extui %gt3A_319 : i1 to i32
        %cond3A = arith.constant 0 : i32
        %cond3A_320 = arith.cmpi ne, %convert_element_type3A, %cond3A : i32
        scf.if %cond3A_320 {
          %dma_wait3A_435 = arith.constant 0 : i32
          %dma_wait3A_436 = arith.constant 0 : i32
          %dma_wait3A_437 = arith.constant 0 : i32
          %dma_wait3A_438 = tpu.memref_slice %arg7[%dma_wait3A_435, %dma_wait3A_436, %dma_wait3A_437] : memref<2x128x128xf32, #tpu.memory_space<vmem>> -> memref<1x128x128xf32, #tpu.memory_space<vmem>>
          %dma_wait3A_439 = tpu.memref_squeeze %dma_wait3A_438 : memref<1x128x128xf32, #tpu.memory_space<vmem>> -> memref<128x128xf32, #tpu.memory_space<vmem>>
          %dma_wait3A_440 = arith.constant 0 : i32
          %dma_wait3A_441 = arith.constant 0 : i32
          %dma_wait3A_442 = tpu.memref_slice %arg2[%dma_wait3A_440, %dma_wait3A_441] : memref<10000x128xf32, #tpu.memory_space<hbm>> -> memref<128x128xf32, #tpu.memory_space<hbm>>
          %dma_wait3A_443 = arith.constant 0 : i32
          %dma_wait3A_444 = arith.constant 0 : i32
          %dma_wait3A_445 = tpu.memref_slice %arg7[%dma_wait3A_435, %dma_wait3A_443, %dma_wait3A_444] : memref<2x128x128xf32, #tpu.memory_space<vmem>> -> memref<1x128x128xf32, #tpu.memory_space<vmem>>
          %dma_wait3A_446 = tpu.memref_squeeze %dma_wait3A_445 : memref<1x128x128xf32, #tpu.memory_space<vmem>> -> memref<128x128xf32, #tpu.memory_space<vmem>>
          %dma_wait3A_447 = arith.constant 0 : i32
          %dma_wait3A_448 = arith.constant 0 : i32
          %dma_wait3A_449 = tpu.memref_slice %arg2[%dma_wait3A_447, %dma_wait3A_448] : memref<10000x128xf32, #tpu.memory_space<hbm>> -> memref<128x128xf32, #tpu.memory_space<hbm>>
          tpu.wait_dma2 semaphore(%arg14 : memref<!tpu.dma_semaphore, #tpu.memory_space<semaphore_mem>>) src(%dma_wait3A_449 : memref<128x128xf32, #tpu.memory_space<hbm>>) dst(%dma_wait3A_446 : memref<128x128xf32, #tpu.memory_space<vmem>>)
          %dma_wait3A_450 = arith.constant 0 : i32
          %dma_wait3A_451 = arith.constant 0 : i32
          %dma_wait3A_452 = tpu.memref_slice %arg5[%dma_wait3A_450, %dma_wait3A_451] : memref<2x10240xf32, #tpu.memory_space<hbm>> -> memref<1x128xf32, #tpu.memory_space<hbm>>
          %dma_wait3A_453 = tpu.memref_squeeze %dma_wait3A_452 : memref<1x128xf32, #tpu.memory_space<hbm>> -> memref<128xf32, #tpu.memory_space<hbm>>
          %dma_wait3A_454 = arith.constant 0 : i32
          %dma_wait3A_455 = tpu.memref_slice %arg5[%dma_wait3A_450, %dma_wait3A_454] : memref<2x10240xf32, #tpu.memory_space<hbm>> -> memref<1x128xf32, #tpu.memory_space<hbm>>
          %dma_wait3A_456 = tpu.memref_squeeze %dma_wait3A_455 : memref<1x128xf32, #tpu.memory_space<hbm>> -> memref<128xf32, #tpu.memory_space<hbm>>
          tpu.wait_dma2 semaphore(%arg14 : memref<!tpu.dma_semaphore, #tpu.memory_space<semaphore_mem>>) src(%dma_wait3A_456 : memref<128xf32, #tpu.memory_space<hbm>>) dst(%arg8 : memref<128xf32, #tpu.memory_space<vmem>>)
        } else {
        }
        %mul3A_321 = arith.constant 2 : i32
        %mul3A_322 = arith.muli %scan3A_314, %mul3A_321 : i32
        %add3A_323 = arith.constant 0 : i32
        %add3A_324 = arith.addi %mul3A_322, %add3A_323 : i32
        %dma_start3A_325 = arith.constant 0 : i32
        %dma_start3A_326 = arith.constant 0 : i32
        %dma_start3A_327 = arith.constant 0 : i32
        %dma_start3A_328 = arith.constant 0 : i32
        %dma_start3A_329 = tpu.memref_slice %arg7[%dma_start3A_326, %dma_start3A_327, %dma_start3A_328] : memref<2x128x128xf32, #tpu.memory_space<vmem>> -> memref<1x128x128xf32, #tpu.memory_space<vmem>>
        %dma_start3A_330 = tpu.memref_squeeze %dma_start3A_329 : memref<1x128x128xf32, #tpu.memory_space<vmem>> -> memref<128x128xf32, #tpu.memory_space<vmem>>
        %dma_start3A_331 = arith.constant 0 : i32
        %dma_start3A_332 = tpu.memref_slice %arg6[%add3A_324, %dma_start3A_325, %dma_start3A_331] : memref<40x2x128xi32, #tpu.memory_space<vmem>> -> memref<1x1x128xi32, #tpu.memory_space<vmem>>
        %dma_start3A_333 = tpu.memref_squeeze %dma_start3A_332 : memref<1x1x128xi32, #tpu.memory_space<vmem>> -> memref<128xi32, #tpu.memory_space<vmem>>
        %dma_start3A_334 = arith.constant 0 : i32
        %dma_start3A_335 = arith.constant 0 : i32
        %dma_start3A_336 = tpu.memref_slice %arg2[%dma_start3A_334, %dma_start3A_335] : memref<10000x128xf32, #tpu.memory_space<hbm>> -> memref<10000x128xf32, #tpu.memory_space<hbm>>
        tpu.enqueue_indirect_dma source(%dma_start3A_336 : memref<10000x128xf32, #tpu.memory_space<hbm>>) target(%dma_start3A_330 : memref<128x128xf32, #tpu.memory_space<vmem>>) offsets(%dma_start3A_333 : memref<128xi32, #tpu.memory_space<vmem>>) semaphore(%arg13 : memref<!tpu.dma_semaphore, #tpu.memory_space<semaphore_mem>>)
        %gt3A_337 = arith.constant 0 : i32
        %gt3A_338 = arith.cmpi sgt, %add3A_318, %gt3A_337 : i32
        %convert_element_type3A_339 = arith.extui %gt3A_338 : i1 to i32
        %cond3A_340 = arith.constant 0 : i32
        %cond3A_341 = arith.cmpi ne, %convert_element_type3A_339, %cond3A_340 : i32
        scf.if %cond3A_341 {
          %dma_wait3A_435 = arith.constant 1 : i32
          %dma_wait3A_436 = arith.constant 0 : i32
          %dma_wait3A_437 = arith.constant 0 : i32
          %dma_wait3A_438 = tpu.memref_slice %arg7[%dma_wait3A_435, %dma_wait3A_436, %dma_wait3A_437] : memref<2x128x128xf32, #tpu.memory_space<vmem>> -> memref<1x128x128xf32, #tpu.memory_space<vmem>>
          %dma_wait3A_439 = tpu.memref_squeeze %dma_wait3A_438 : memref<1x128x128xf32, #tpu.memory_space<vmem>> -> memref<128x128xf32, #tpu.memory_space<vmem>>
          %dma_wait3A_440 = arith.constant 0 : i32
          %dma_wait3A_441 = arith.constant 0 : i32
          %dma_wait3A_442 = tpu.memref_slice %arg2[%dma_wait3A_440, %dma_wait3A_441] : memref<10000x128xf32, #tpu.memory_space<hbm>> -> memref<128x128xf32, #tpu.memory_space<hbm>>
          %dma_wait3A_443 = arith.constant 0 : i32
          %dma_wait3A_444 = arith.constant 0 : i32
          %dma_wait3A_445 = tpu.memref_slice %arg7[%dma_wait3A_435, %dma_wait3A_443, %dma_wait3A_444] : memref<2x128x128xf32, #tpu.memory_space<vmem>> -> memref<1x128x128xf32, #tpu.memory_space<vmem>>
          %dma_wait3A_446 = tpu.memref_squeeze %dma_wait3A_445 : memref<1x128x128xf32, #tpu.memory_space<vmem>> -> memref<128x128xf32, #tpu.memory_space<vmem>>
          %dma_wait3A_447 = arith.constant 0 : i32
          %dma_wait3A_448 = arith.constant 0 : i32
          %dma_wait3A_449 = tpu.memref_slice %arg2[%dma_wait3A_447, %dma_wait3A_448] : memref<10000x128xf32, #tpu.memory_space<hbm>> -> memref<128x128xf32, #tpu.memory_space<hbm>>
          tpu.wait_dma2 semaphore(%arg14 : memref<!tpu.dma_semaphore, #tpu.memory_space<semaphore_mem>>) src(%dma_wait3A_449 : memref<128x128xf32, #tpu.memory_space<hbm>>) dst(%dma_wait3A_446 : memref<128x128xf32, #tpu.memory_space<vmem>>)
          %dma_wait3A_450 = arith.constant 0 : i32
          %dma_wait3A_451 = arith.constant 0 : i32
          %dma_wait3A_452 = tpu.memref_slice %arg5[%dma_wait3A_450, %dma_wait3A_451] : memref<2x10240xf32, #tpu.memory_space<hbm>> -> memref<1x128xf32, #tpu.memory_space<hbm>>
          %dma_wait3A_453 = tpu.memref_squeeze %dma_wait3A_452 : memref<1x128xf32, #tpu.memory_space<hbm>> -> memref<128xf32, #tpu.memory_space<hbm>>
          %dma_wait3A_454 = arith.constant 0 : i32
          %dma_wait3A_455 = tpu.memref_slice %arg5[%dma_wait3A_450, %dma_wait3A_454] : memref<2x10240xf32, #tpu.memory_space<hbm>> -> memref<1x128xf32, #tpu.memory_space<hbm>>
          %dma_wait3A_456 = tpu.memref_squeeze %dma_wait3A_455 : memref<1x128xf32, #tpu.memory_space<hbm>> -> memref<128xf32, #tpu.memory_space<hbm>>
          tpu.wait_dma2 semaphore(%arg14 : memref<!tpu.dma_semaphore, #tpu.memory_space<semaphore_mem>>) src(%dma_wait3A_456 : memref<128xf32, #tpu.memory_space<hbm>>) dst(%arg8 : memref<128xf32, #tpu.memory_space<vmem>>)
        } else {
        }
        %mul3A_342 = arith.constant 2 : i32
        %mul3A_343 = arith.muli %scan3A_314, %mul3A_342 : i32
        %add3A_344 = arith.constant 1 : i32
        %add3A_345 = arith.addi %mul3A_343, %add3A_344 : i32
        %dma_start3A_346 = arith.constant 0 : i32
        %dma_start3A_347 = arith.constant 1 : i32
        %dma_start3A_348 = arith.constant 0 : i32
        %dma_start3A_349 = arith.constant 0 : i32
        %dma_start3A_350 = tpu.memref_slice %arg7[%dma_start3A_347, %dma_start3A_348, %dma_start3A_349] : memref<2x128x128xf32, #tpu.memory_space<vmem>> -> memref<1x128x128xf32, #tpu.memory_space<vmem>>
        %dma_start3A_351 = tpu.memref_squeeze %dma_start3A_350 : memref<1x128x128xf32, #tpu.memory_space<vmem>> -> memref<128x128xf32, #tpu.memory_space<vmem>>
        %dma_start3A_352 = arith.constant 0 : i32
        %dma_start3A_353 = tpu.memref_slice %arg6[%add3A_345, %dma_start3A_346, %dma_start3A_352] : memref<40x2x128xi32, #tpu.memory_space<vmem>> -> memref<1x1x128xi32, #tpu.memory_space<vmem>>
        %dma_start3A_354 = tpu.memref_squeeze %dma_start3A_353 : memref<1x1x128xi32, #tpu.memory_space<vmem>> -> memref<128xi32, #tpu.memory_space<vmem>>
        %dma_start3A_355 = arith.constant 0 : i32
        %dma_start3A_356 = arith.constant 0 : i32
        %dma_start3A_357 = tpu.memref_slice %arg2[%dma_start3A_355, %dma_start3A_356] : memref<10000x128xf32, #tpu.memory_space<hbm>> -> memref<10000x128xf32, #tpu.memory_space<hbm>>
        tpu.enqueue_indirect_dma source(%dma_start3A_357 : memref<10000x128xf32, #tpu.memory_space<hbm>>) target(%dma_start3A_351 : memref<128x128xf32, #tpu.memory_space<vmem>>) offsets(%dma_start3A_354 : memref<128xi32, #tpu.memory_space<vmem>>) semaphore(%arg13 : memref<!tpu.dma_semaphore, #tpu.memory_space<semaphore_mem>>)
        %dma_wait3A_358 = arith.constant 0 : i32
        %dma_wait3A_359 = arith.constant 0 : i32
        %dma_wait3A_360 = arith.constant 0 : i32
        %dma_wait3A_361 = arith.constant 0 : i32
        %dma_wait3A_362 = tpu.memref_slice %arg7[%dma_wait3A_359, %dma_wait3A_360, %dma_wait3A_361] : memref<2x128x128xf32, #tpu.memory_space<vmem>> -> memref<1x128x128xf32, #tpu.memory_space<vmem>>
        %dma_wait3A_363 = tpu.memref_squeeze %dma_wait3A_362 : memref<1x128x128xf32, #tpu.memory_space<vmem>> -> memref<128x128xf32, #tpu.memory_space<vmem>>
        %dma_wait3A_364 = arith.constant 0 : i32
        %dma_wait3A_365 = tpu.memref_slice %arg6[%add3A_324, %dma_wait3A_358, %dma_wait3A_364] : memref<40x2x128xi32, #tpu.memory_space<vmem>> -> memref<1x1x128xi32, #tpu.memory_space<vmem>>
        %dma_wait3A_366 = tpu.memref_squeeze %dma_wait3A_365 : memref<1x1x128xi32, #tpu.memory_space<vmem>> -> memref<128xi32, #tpu.memory_space<vmem>>
        %dma_wait3A_367 = arith.constant 0 : i32
        %dma_wait3A_368 = arith.constant 0 : i32
        %dma_wait3A_369 = tpu.memref_slice %arg2[%dma_wait3A_367, %dma_wait3A_368] : memref<10000x128xf32, #tpu.memory_space<hbm>> -> memref<10000x128xf32, #tpu.memory_space<hbm>>
        tpu.wait_indirect_dma semaphore(%arg13 : memref<!tpu.dma_semaphore, #tpu.memory_space<semaphore_mem>>) src(%dma_wait3A_369 : memref<10000x128xf32, #tpu.memory_space<hbm>>) dst(%dma_wait3A_363 : memref<128x128xf32, #tpu.memory_space<vmem>>)
        %mul3A_370 = arith.constant 2 : i32
        %mul3A_371 = arith.muli %scan3A_314, %mul3A_370 : i32
        %add3A_372 = arith.constant 0 : i32
        %add3A_373 = arith.addi %mul3A_371, %add3A_372 : i32
        %dma_start3A_374 = arith.constant 0 : i32
        %dma_start3A_375 = arith.constant 1 : i32
        %dma_start3A_376 = arith.constant 0 : i32
        %dma_start3A_377 = arith.constant 0 : i32
        %dma_start3A_378 = tpu.memref_slice %arg7[%dma_start3A_374, %dma_start3A_376, %dma_start3A_377] : memref<2x128x128xf32, #tpu.memory_space<vmem>> -> memref<1x128x128xf32, #tpu.memory_space<vmem>>
        %dma_start3A_379 = tpu.memref_squeeze %dma_start3A_378 : memref<1x128x128xf32, #tpu.memory_space<vmem>> -> memref<128x128xf32, #tpu.memory_space<vmem>>
        %dma_start3A_380 = arith.constant 0 : i32
        %dma_start3A_381 = tpu.memref_slice %arg6[%add3A_373, %dma_start3A_375, %dma_start3A_380] : memref<40x2x128xi32, #tpu.memory_space<vmem>> -> memref<1x1x128xi32, #tpu.memory_space<vmem>>
        %dma_start3A_382 = tpu.memref_squeeze %dma_start3A_381 : memref<1x1x128xi32, #tpu.memory_space<vmem>> -> memref<128xi32, #tpu.memory_space<vmem>>
        %dma_start3A_383 = arith.constant 0 : i32
        %dma_start3A_384 = arith.constant 0 : i32
        %dma_start3A_385 = tpu.memref_slice %arg10[%dma_start3A_383, %dma_start3A_384] : memref<10240x128xf32, #tpu.memory_space<vmem_shared>> -> memref<10240x128xf32, #tpu.memory_space<vmem_shared>>
        tpu.enqueue_indirect_dma source(%dma_start3A_379 : memref<128x128xf32, #tpu.memory_space<vmem>>) target(%dma_start3A_385 : memref<10240x128xf32, #tpu.memory_space<vmem_shared>>) offsets(%dma_start3A_382 : memref<128xi32, #tpu.memory_space<vmem>>) semaphore(%arg14 : memref<!tpu.dma_semaphore, #tpu.memory_space<semaphore_mem>>) {add = true}
        %mul3A_386 = arith.constant 2 : i32
        %mul3A_387 = arith.muli %scan3A_314, %mul3A_386 : i32
        %add3A_388 = arith.constant 0 : i32
        %add3A_389 = arith.addi %mul3A_387, %add3A_388 : i32
        %dma_start3A_390 = arith.constant 1 : i32
        %dma_start3A_391 = arith.constant 0 : i32
        %dma_start3A_392 = tpu.memref_slice %arg6[%add3A_389, %dma_start3A_390, %dma_start3A_391] : memref<40x2x128xi32, #tpu.memory_space<vmem>> -> memref<1x1x128xi32, #tpu.memory_space<vmem>>
        %dma_start3A_393 = tpu.memref_squeeze %dma_start3A_392 : memref<1x1x128xi32, #tpu.memory_space<vmem>> -> memref<128xi32, #tpu.memory_space<vmem>>
        %dma_start3A_394 = arith.constant 0 : i32
        %dma_start3A_395 = tpu.memref_slice %arg11[%dma_start3A_394] : memref<10240xf32, #tpu.memory_space<vmem_shared>> -> memref<10240xf32, #tpu.memory_space<vmem_shared>>
        tpu.enqueue_indirect_dma source(%arg8 : memref<128xf32, #tpu.memory_space<vmem>>) target(%dma_start3A_395 : memref<10240xf32, #tpu.memory_space<vmem_shared>>) offsets(%dma_start3A_393 : memref<128xi32, #tpu.memory_space<vmem>>) semaphore(%arg14 : memref<!tpu.dma_semaphore, #tpu.memory_space<semaphore_mem>>) {add = true}
        %dma_wait3A_396 = arith.constant 0 : i32
        %dma_wait3A_397 = arith.constant 1 : i32
        %dma_wait3A_398 = arith.constant 0 : i32
        %dma_wait3A_399 = arith.constant 0 : i32
        %dma_wait3A_400 = tpu.memref_slice %arg7[%dma_wait3A_397, %dma_wait3A_398, %dma_wait3A_399] : memref<2x128x128xf32, #tpu.memory_space<vmem>> -> memref<1x128x128xf32, #tpu.memory_space<vmem>>
        %dma_wait3A_401 = tpu.memref_squeeze %dma_wait3A_400 : memref<1x128x128xf32, #tpu.memory_space<vmem>> -> memref<128x128xf32, #tpu.memory_space<vmem>>
        %dma_wait3A_402 = arith.constant 0 : i32
        %dma_wait3A_403 = tpu.memref_slice %arg6[%add3A_345, %dma_wait3A_396, %dma_wait3A_402] : memref<40x2x128xi32, #tpu.memory_space<vmem>> -> memref<1x1x128xi32, #tpu.memory_space<vmem>>
        %dma_wait3A_404 = tpu.memref_squeeze %dma_wait3A_403 : memref<1x1x128xi32, #tpu.memory_space<vmem>> -> memref<128xi32, #tpu.memory_space<vmem>>
        %dma_wait3A_405 = arith.constant 0 : i32
        %dma_wait3A_406 = arith.constant 0 : i32
        %dma_wait3A_407 = tpu.memref_slice %arg2[%dma_wait3A_405, %dma_wait3A_406] : memref<10000x128xf32, #tpu.memory_space<hbm>> -> memref<10000x128xf32, #tpu.memory_space<hbm>>
        tpu.wait_indirect_dma semaphore(%arg13 : memref<!tpu.dma_semaphore, #tpu.memory_space<semaphore_mem>>) src(%dma_wait3A_407 : memref<10000x128xf32, #tpu.memory_space<hbm>>) dst(%dma_wait3A_401 : memref<128x128xf32, #tpu.memory_space<vmem>>)
        %mul3A_408 = arith.constant 2 : i32
        %mul3A_409 = arith.muli %scan3A_314, %mul3A_408 : i32
        %add3A_410 = arith.constant 1 : i32
        %add3A_411 = arith.addi %mul3A_409, %add3A_410 : i32
        %dma_start3A_412 = arith.constant 1 : i32
        %dma_start3A_413 = arith.constant 1 : i32
        %dma_start3A_414 = arith.constant 0 : i32
        %dma_start3A_415 = arith.constant 0 : i32
        %dma_start3A_416 = tpu.memref_slice %arg7[%dma_start3A_412, %dma_start3A_414, %dma_start3A_415] : memref<2x128x128xf32, #tpu.memory_space<vmem>> -> memref<1x128x128xf32, #tpu.memory_space<vmem>>
        %dma_start3A_417 = tpu.memref_squeeze %dma_start3A_416 : memref<1x128x128xf32, #tpu.memory_space<vmem>> -> memref<128x128xf32, #tpu.memory_space<vmem>>
        %dma_start3A_418 = arith.constant 0 : i32
        %dma_start3A_419 = tpu.memref_slice %arg6[%add3A_411, %dma_start3A_413, %dma_start3A_418] : memref<40x2x128xi32, #tpu.memory_space<vmem>> -> memref<1x1x128xi32, #tpu.memory_space<vmem>>
        %dma_start3A_420 = tpu.memref_squeeze %dma_start3A_419 : memref<1x1x128xi32, #tpu.memory_space<vmem>> -> memref<128xi32, #tpu.memory_space<vmem>>
        %dma_start3A_421 = arith.constant 0 : i32
        %dma_start3A_422 = arith.constant 0 : i32
        %dma_start3A_423 = tpu.memref_slice %arg10[%dma_start3A_421, %dma_start3A_422] : memref<10240x128xf32, #tpu.memory_space<vmem_shared>> -> memref<10240x128xf32, #tpu.memory_space<vmem_shared>>
        tpu.enqueue_indirect_dma source(%dma_start3A_417 : memref<128x128xf32, #tpu.memory_space<vmem>>) target(%dma_start3A_423 : memref<10240x128xf32, #tpu.memory_space<vmem_shared>>) offsets(%dma_start3A_420 : memref<128xi32, #tpu.memory_space<vmem>>) semaphore(%arg14 : memref<!tpu.dma_semaphore, #tpu.memory_space<semaphore_mem>>) {add = true}
        %mul3A_424 = arith.constant 2 : i32
        %mul3A_425 = arith.muli %scan3A_314, %mul3A_424 : i32
        %add3A_426 = arith.constant 1 : i32
        %add3A_427 = arith.addi %mul3A_425, %add3A_426 : i32
        %dma_start3A_428 = arith.constant 1 : i32
        %dma_start3A_429 = arith.constant 0 : i32
        %dma_start3A_430 = tpu.memref_slice %arg6[%add3A_427, %dma_start3A_428, %dma_start3A_429] : memref<40x2x128xi32, #tpu.memory_space<vmem>> -> memref<1x1x128xi32, #tpu.memory_space<vmem>>
        %dma_start3A_431 = tpu.memref_squeeze %dma_start3A_430 : memref<1x1x128xi32, #tpu.memory_space<vmem>> -> memref<128xi32, #tpu.memory_space<vmem>>
        %dma_start3A_432 = arith.constant 0 : i32
        %dma_start3A_433 = tpu.memref_slice %arg11[%dma_start3A_432] : memref<10240xf32, #tpu.memory_space<vmem_shared>> -> memref<10240xf32, #tpu.memory_space<vmem_shared>>
        tpu.enqueue_indirect_dma source(%arg8 : memref<128xf32, #tpu.memory_space<vmem>>) target(%dma_start3A_433 : memref<10240xf32, #tpu.memory_space<vmem_shared>>) offsets(%dma_start3A_431 : memref<128xi32, #tpu.memory_space<vmem>>) semaphore(%arg14 : memref<!tpu.dma_semaphore, #tpu.memory_space<semaphore_mem>>) {add = true}
        %scan3A_434 = arith.constant 0 : i32
        scf.yield %scan3A_434 : i32
      }
      %scan3A_312 = arith.constant 20 : i32
      %scan3A_313 = arith.constant 0 : i32
      scf.yield %scan3A_313 : i32
    }
    %scan3A_190 = arith.constant 2 : i32
    %dma_wait3A_191 = arith.constant 0 : i32
    %dma_wait3A_192 = arith.constant 0 : i32
    %dma_wait3A_193 = arith.constant 0 : i32
    %dma_wait3A_194 = tpu.memref_slice %arg7[%dma_wait3A_191, %dma_wait3A_192, %dma_wait3A_193] : memref<2x128x128xf32, #tpu.memory_space<vmem>> -> memref<1x128x128xf32, #tpu.memory_space<vmem>>
    %dma_wait3A_195 = tpu.memref_squeeze %dma_wait3A_194 : memref<1x128x128xf32, #tpu.memory_space<vmem>> -> memref<128x128xf32, #tpu.memory_space<vmem>>
    %dma_wait3A_196 = arith.constant 0 : i32
    %dma_wait3A_197 = arith.constant 0 : i32
    %dma_wait3A_198 = tpu.memref_slice %arg2[%dma_wait3A_196, %dma_wait3A_197] : memref<10000x128xf32, #tpu.memory_space<hbm>> -> memref<128x128xf32, #tpu.memory_space<hbm>>
    %dma_wait3A_199 = arith.constant 0 : i32
    %dma_wait3A_200 = arith.constant 0 : i32
    %dma_wait3A_201 = tpu.memref_slice %arg7[%dma_wait3A_191, %dma_wait3A_199, %dma_wait3A_200] : memref<2x128x128xf32, #tpu.memory_space<vmem>> -> memref<1x128x128xf32, #tpu.memory_space<vmem>>
    %dma_wait3A_202 = tpu.memref_squeeze %dma_wait3A_201 : memref<1x128x128xf32, #tpu.memory_space<vmem>> -> memref<128x128xf32, #tpu.memory_space<vmem>>
    %dma_wait3A_203 = arith.constant 0 : i32
    %dma_wait3A_204 = arith.constant 0 : i32
    %dma_wait3A_205 = tpu.memref_slice %arg2[%dma_wait3A_203, %dma_wait3A_204] : memref<10000x128xf32, #tpu.memory_space<hbm>> -> memref<128x128xf32, #tpu.memory_space<hbm>>
    tpu.wait_dma2 semaphore(%arg14 : memref<!tpu.dma_semaphore, #tpu.memory_space<semaphore_mem>>) src(%dma_wait3A_205 : memref<128x128xf32, #tpu.memory_space<hbm>>) dst(%dma_wait3A_202 : memref<128x128xf32, #tpu.memory_space<vmem>>)
    %dma_wait3A_206 = arith.constant 0 : i32
    %dma_wait3A_207 = arith.constant 0 : i32
    %dma_wait3A_208 = tpu.memref_slice %arg5[%dma_wait3A_206, %dma_wait3A_207] : memref<2x10240xf32, #tpu.memory_space<hbm>> -> memref<1x128xf32, #tpu.memory_space<hbm>>
    %dma_wait3A_209 = tpu.memref_squeeze %dma_wait3A_208 : memref<1x128xf32, #tpu.memory_space<hbm>> -> memref<128xf32, #tpu.memory_space<hbm>>
    %dma_wait3A_210 = arith.constant 0 : i32
    %dma_wait3A_211 = tpu.memref_slice %arg5[%dma_wait3A_206, %dma_wait3A_210] : memref<2x10240xf32, #tpu.memory_space<hbm>> -> memref<1x128xf32, #tpu.memory_space<hbm>>
    %dma_wait3A_212 = tpu.memref_squeeze %dma_wait3A_211 : memref<1x128xf32, #tpu.memory_space<hbm>> -> memref<128xf32, #tpu.memory_space<hbm>>
    tpu.wait_dma2 semaphore(%arg14 : memref<!tpu.dma_semaphore, #tpu.memory_space<semaphore_mem>>) src(%dma_wait3A_212 : memref<128xf32, #tpu.memory_space<hbm>>) dst(%arg8 : memref<128xf32, #tpu.memory_space<vmem>>)
    %dma_wait3A_213 = arith.constant 1 : i32
    %dma_wait3A_214 = arith.constant 0 : i32
    %dma_wait3A_215 = arith.constant 0 : i32
    %dma_wait3A_216 = tpu.memref_slice %arg7[%dma_wait3A_213, %dma_wait3A_214, %dma_wait3A_215] : memref<2x128x128xf32, #tpu.memory_space<vmem>> -> memref<1x128x128xf32, #tpu.memory_space<vmem>>
    %dma_wait3A_217 = tpu.memref_squeeze %dma_wait3A_216 : memref<1x128x128xf32, #tpu.memory_space<vmem>> -> memref<128x128xf32, #tpu.memory_space<vmem>>
    %dma_wait3A_218 = arith.constant 0 : i32
    %dma_wait3A_219 = arith.constant 0 : i32
    %dma_wait3A_220 = tpu.memref_slice %arg2[%dma_wait3A_218, %dma_wait3A_219] : memref<10000x128xf32, #tpu.memory_space<hbm>> -> memref<128x128xf32, #tpu.memory_space<hbm>>
    %dma_wait3A_221 = arith.constant 0 : i32
    %dma_wait3A_222 = arith.constant 0 : i32
    %dma_wait3A_223 = tpu.memref_slice %arg7[%dma_wait3A_213, %dma_wait3A_221, %dma_wait3A_222] : memref<2x128x128xf32, #tpu.memory_space<vmem>> -> memref<1x128x128xf32, #tpu.memory_space<vmem>>
    %dma_wait3A_224 = tpu.memref_squeeze %dma_wait3A_223 : memref<1x128x128xf32, #tpu.memory_space<vmem>> -> memref<128x128xf32, #tpu.memory_space<vmem>>
    %dma_wait3A_225 = arith.constant 0 : i32
    %dma_wait3A_226 = arith.constant 0 : i32
    %dma_wait3A_227 = tpu.memref_slice %arg2[%dma_wait3A_225, %dma_wait3A_226] : memref<10000x128xf32, #tpu.memory_space<hbm>> -> memref<128x128xf32, #tpu.memory_space<hbm>>
    tpu.wait_dma2 semaphore(%arg14 : memref<!tpu.dma_semaphore, #tpu.memory_space<semaphore_mem>>) src(%dma_wait3A_227 : memref<128x128xf32, #tpu.memory_space<hbm>>) dst(%dma_wait3A_224 : memref<128x128xf32, #tpu.memory_space<vmem>>)
    %dma_wait3A_228 = arith.constant 0 : i32
    %dma_wait3A_229 = arith.constant 0 : i32
    %dma_wait3A_230 = tpu.memref_slice %arg5[%dma_wait3A_228, %dma_wait3A_229] : memref<2x10240xf32, #tpu.memory_space<hbm>> -> memref<1x128xf32, #tpu.memory_space<hbm>>
    %dma_wait3A_231 = tpu.memref_squeeze %dma_wait3A_230 : memref<1x128xf32, #tpu.memory_space<hbm>> -> memref<128xf32, #tpu.memory_space<hbm>>
    %dma_wait3A_232 = arith.constant 0 : i32
    %dma_wait3A_233 = tpu.memref_slice %arg5[%dma_wait3A_228, %dma_wait3A_232] : memref<2x10240xf32, #tpu.memory_space<hbm>> -> memref<1x128xf32, #tpu.memory_space<hbm>>
    %dma_wait3A_234 = tpu.memref_squeeze %dma_wait3A_233 : memref<1x128xf32, #tpu.memory_space<hbm>> -> memref<128xf32, #tpu.memory_space<hbm>>
    tpu.wait_dma2 semaphore(%arg14 : memref<!tpu.dma_semaphore, #tpu.memory_space<semaphore_mem>>) src(%dma_wait3A_234 : memref<128xf32, #tpu.memory_space<hbm>>) dst(%arg8 : memref<128xf32, #tpu.memory_space<vmem>>)
    "tpu.trace_stop"() : () -> ()
    %barrier3A_235 = arith.constant 0 : index
    tpu.barrier barrier_id(%barrier3A_235)
    "tpu.trace_start"() <{level = 10 : i32, message = "sc_wb"}> : () -> ()
    %add3A_236 = arith.constant 0 : i32
    %add3A_237 = arith.addi %mul3A_2, %add3A_236 : i32
    %dma_start3A_238 = arith.constant 0 : i32
    %dma_start3A_239 = tpu.memref_slice %arg4[%arg0, %add3A_237, %dma_start3A_238] : memref<2x10240x128xf32, #tpu.memory_space<hbm>> -> memref<1x128x128xf32, #tpu.memory_space<hbm>>
    %dma_start3A_240 = tpu.memref_squeeze %dma_start3A_239 : memref<1x128x128xf32, #tpu.memory_space<hbm>> -> memref<128x128xf32, #tpu.memory_space<hbm>>
    %dma_start3A_241 = arith.constant 0 : i32
    %dma_start3A_242 = tpu.memref_slice %arg10[%add3A_237, %dma_start3A_241] : memref<10240x128xf32, #tpu.memory_space<vmem_shared>> -> memref<128x128xf32, #tpu.memory_space<vmem_shared>>
    tpu.enqueue_dma source(%dma_start3A_242 : memref<128x128xf32, #tpu.memory_space<vmem_shared>>) target(%dma_start3A_240 : memref<128x128xf32, #tpu.memory_space<hbm>>) target_semaphore(%arg12 : memref<!tpu.dma_semaphore, #tpu.memory_space<semaphore_mem>>)
    %add3A_243 = arith.constant 128 : i32
    %add3A_244 = arith.addi %mul3A_2, %add3A_243 : i32
    %dma_start3A_245 = arith.constant 0 : i32
    %dma_start3A_246 = tpu.memref_slice %arg4[%arg0, %add3A_244, %dma_start3A_245] : memref<2x10240x128xf32, #tpu.memory_space<hbm>> -> memref<1x128x128xf32, #tpu.memory_space<hbm>>
    %dma_start3A_247 = tpu.memref_squeeze %dma_start3A_246 : memref<1x128x128xf32, #tpu.memory_space<hbm>> -> memref<128x128xf32, #tpu.memory_space<hbm>>
    %dma_start3A_248 = arith.constant 0 : i32
    %dma_start3A_249 = tpu.memref_slice %arg10[%add3A_244, %dma_start3A_248] : memref<10240x128xf32, #tpu.memory_space<vmem_shared>> -> memref<128x128xf32, #tpu.memory_space<vmem_shared>>
    tpu.enqueue_dma source(%dma_start3A_249 : memref<128x128xf32, #tpu.memory_space<vmem_shared>>) target(%dma_start3A_247 : memref<128x128xf32, #tpu.memory_space<hbm>>) target_semaphore(%arg12 : memref<!tpu.dma_semaphore, #tpu.memory_space<semaphore_mem>>)
    %add3A_250 = arith.constant 256 : i32
    %add3A_251 = arith.addi %mul3A_2, %add3A_250 : i32
    %dma_start3A_252 = arith.constant 0 : i32
    %dma_start3A_253 = tpu.memref_slice %arg4[%arg0, %add3A_251, %dma_start3A_252] : memref<2x10240x128xf32, #tpu.memory_space<hbm>> -> memref<1x128x128xf32, #tpu.memory_space<hbm>>
    %dma_start3A_254 = tpu.memref_squeeze %dma_start3A_253 : memref<1x128x128xf32, #tpu.memory_space<hbm>> -> memref<128x128xf32, #tpu.memory_space<hbm>>
    %dma_start3A_255 = arith.constant 0 : i32
    %dma_start3A_256 = tpu.memref_slice %arg10[%add3A_251, %dma_start3A_255] : memref<10240x128xf32, #tpu.memory_space<vmem_shared>> -> memref<128x128xf32, #tpu.memory_space<vmem_shared>>
    tpu.enqueue_dma source(%dma_start3A_256 : memref<128x128xf32, #tpu.memory_space<vmem_shared>>) target(%dma_start3A_254 : memref<128x128xf32, #tpu.memory_space<hbm>>) target_semaphore(%arg12 : memref<!tpu.dma_semaphore, #tpu.memory_space<semaphore_mem>>)
    %add3A_257 = arith.constant 384 : i32
    %add3A_258 = arith.addi %mul3A_2, %add3A_257 : i32
    %dma_start3A_259 = arith.constant 0 : i32
    %dma_start3A_260 = tpu.memref_slice %arg4[%arg0, %add3A_258, %dma_start3A_259] : memref<2x10240x128xf32, #tpu.memory_space<hbm>> -> memref<1x128x128xf32, #tpu.memory_space<hbm>>
    %dma_start3A_261 = tpu.memref_squeeze %dma_start3A_260 : memref<1x128x128xf32, #tpu.memory_space<hbm>> -> memref<128x128xf32, #tpu.memory_space<hbm>>
    %dma_start3A_262 = arith.constant 0 : i32
    %dma_start3A_263 = tpu.memref_slice %arg10[%add3A_258, %dma_start3A_262] : memref<10240x128xf32, #tpu.memory_space<vmem_shared>> -> memref<128x128xf32, #tpu.memory_space<vmem_shared>>
    tpu.enqueue_dma source(%dma_start3A_263 : memref<128x128xf32, #tpu.memory_space<vmem_shared>>) target(%dma_start3A_261 : memref<128x128xf32, #tpu.memory_space<hbm>>) target_semaphore(%arg12 : memref<!tpu.dma_semaphore, #tpu.memory_space<semaphore_mem>>)
    %add3A_264 = arith.constant 512 : i32
    %add3A_265 = arith.addi %mul3A_2, %add3A_264 : i32
    %dma_start3A_266 = arith.constant 0 : i32
    %dma_start3A_267 = tpu.memref_slice %arg4[%arg0, %add3A_265, %dma_start3A_266] : memref<2x10240x128xf32, #tpu.memory_space<hbm>> -> memref<1x128x128xf32, #tpu.memory_space<hbm>>
    %dma_start3A_268 = tpu.memref_squeeze %dma_start3A_267 : memref<1x128x128xf32, #tpu.memory_space<hbm>> -> memref<128x128xf32, #tpu.memory_space<hbm>>
    %dma_start3A_269 = arith.constant 0 : i32
    %dma_start3A_270 = tpu.memref_slice %arg10[%add3A_265, %dma_start3A_269] : memref<10240x128xf32, #tpu.memory_space<vmem_shared>> -> memref<128x128xf32, #tpu.memory_space<vmem_shared>>
    tpu.enqueue_dma source(%dma_start3A_270 : memref<128x128xf32, #tpu.memory_space<vmem_shared>>) target(%dma_start3A_268 : memref<128x128xf32, #tpu.memory_space<hbm>>) target_semaphore(%arg12 : memref<!tpu.dma_semaphore, #tpu.memory_space<semaphore_mem>>)
    %dma_start3A_271 = tpu.memref_slice %arg5[%arg0, %mul3A_2] : memref<2x10240xf32, #tpu.memory_space<hbm>> -> memref<1x640xf32, #tpu.memory_space<hbm>>
    %dma_start3A_272 = tpu.memref_squeeze %dma_start3A_271 : memref<1x640xf32, #tpu.memory_space<hbm>> -> memref<640xf32, #tpu.memory_space<hbm>>
    %dma_start3A_273 = tpu.memref_slice %arg11[%mul3A_2] : memref<10240xf32, #tpu.memory_space<vmem_shared>> -> memref<640xf32, #tpu.memory_space<vmem_shared>>
    tpu.enqueue_dma source(%dma_start3A_273 : memref<640xf32, #tpu.memory_space<vmem_shared>>) target(%dma_start3A_272 : memref<640xf32, #tpu.memory_space<hbm>>) target_semaphore(%arg12 : memref<!tpu.dma_semaphore, #tpu.memory_space<semaphore_mem>>)
    %dma_wait3A_274 = arith.constant 0 : i32
    %dma_wait3A_275 = tpu.memref_slice %arg4[%arg0, %add3A_237, %dma_wait3A_274] : memref<2x10240x128xf32, #tpu.memory_space<hbm>> -> memref<1x128x128xf32, #tpu.memory_space<hbm>>
    %dma_wait3A_276 = tpu.memref_squeeze %dma_wait3A_275 : memref<1x128x128xf32, #tpu.memory_space<hbm>> -> memref<128x128xf32, #tpu.memory_space<hbm>>
    %dma_wait3A_277 = arith.constant 0 : i32
    %dma_wait3A_278 = tpu.memref_slice %arg10[%add3A_237, %dma_wait3A_277] : memref<10240x128xf32, #tpu.memory_space<vmem_shared>> -> memref<128x128xf32, #tpu.memory_space<vmem_shared>>
    tpu.wait_dma2 semaphore(%arg12 : memref<!tpu.dma_semaphore, #tpu.memory_space<semaphore_mem>>) src(%dma_wait3A_278 : memref<128x128xf32, #tpu.memory_space<vmem_shared>>) dst(%dma_wait3A_276 : memref<128x128xf32, #tpu.memory_space<hbm>>)
    %dma_wait3A_279 = arith.constant 0 : i32
    %dma_wait3A_280 = tpu.memref_slice %arg4[%arg0, %add3A_244, %dma_wait3A_279] : memref<2x10240x128xf32, #tpu.memory_space<hbm>> -> memref<1x128x128xf32, #tpu.memory_space<hbm>>
    %dma_wait3A_281 = tpu.memref_squeeze %dma_wait3A_280 : memref<1x128x128xf32, #tpu.memory_space<hbm>> -> memref<128x128xf32, #tpu.memory_space<hbm>>
    %dma_wait3A_282 = arith.constant 0 : i32
    %dma_wait3A_283 = tpu.memref_slice %arg10[%add3A_244, %dma_wait3A_282] : memref<10240x128xf32, #tpu.memory_space<vmem_shared>> -> memref<128x128xf32, #tpu.memory_space<vmem_shared>>
    tpu.wait_dma2 semaphore(%arg12 : memref<!tpu.dma_semaphore, #tpu.memory_space<semaphore_mem>>) src(%dma_wait3A_283 : memref<128x128xf32, #tpu.memory_space<vmem_shared>>) dst(%dma_wait3A_281 : memref<128x128xf32, #tpu.memory_space<hbm>>)
    %dma_wait3A_284 = arith.constant 0 : i32
    %dma_wait3A_285 = tpu.memref_slice %arg4[%arg0, %add3A_251, %dma_wait3A_284] : memref<2x10240x128xf32, #tpu.memory_space<hbm>> -> memref<1x128x128xf32, #tpu.memory_space<hbm>>
    %dma_wait3A_286 = tpu.memref_squeeze %dma_wait3A_285 : memref<1x128x128xf32, #tpu.memory_space<hbm>> -> memref<128x128xf32, #tpu.memory_space<hbm>>
    %dma_wait3A_287 = arith.constant 0 : i32
    %dma_wait3A_288 = tpu.memref_slice %arg10[%add3A_251, %dma_wait3A_287] : memref<10240x128xf32, #tpu.memory_space<vmem_shared>> -> memref<128x128xf32, #tpu.memory_space<vmem_shared>>
    tpu.wait_dma2 semaphore(%arg12 : memref<!tpu.dma_semaphore, #tpu.memory_space<semaphore_mem>>) src(%dma_wait3A_288 : memref<128x128xf32, #tpu.memory_space<vmem_shared>>) dst(%dma_wait3A_286 : memref<128x128xf32, #tpu.memory_space<hbm>>)
    %dma_wait3A_289 = arith.constant 0 : i32
    %dma_wait3A_290 = tpu.memref_slice %arg4[%arg0, %add3A_258, %dma_wait3A_289] : memref<2x10240x128xf32, #tpu.memory_space<hbm>> -> memref<1x128x128xf32, #tpu.memory_space<hbm>>
    %dma_wait3A_291 = tpu.memref_squeeze %dma_wait3A_290 : memref<1x128x128xf32, #tpu.memory_space<hbm>> -> memref<128x128xf32, #tpu.memory_space<hbm>>
    %dma_wait3A_292 = arith.constant 0 : i32
    %dma_wait3A_293 = tpu.memref_slice %arg10[%add3A_258, %dma_wait3A_292] : memref<10240x128xf32, #tpu.memory_space<vmem_shared>> -> memref<128x128xf32, #tpu.memory_space<vmem_shared>>
    tpu.wait_dma2 semaphore(%arg12 : memref<!tpu.dma_semaphore, #tpu.memory_space<semaphore_mem>>) src(%dma_wait3A_293 : memref<128x128xf32, #tpu.memory_space<vmem_shared>>) dst(%dma_wait3A_291 : memref<128x128xf32, #tpu.memory_space<hbm>>)
    %dma_wait3A_294 = arith.constant 0 : i32
    %dma_wait3A_295 = tpu.memref_slice %arg4[%arg0, %add3A_265, %dma_wait3A_294] : memref<2x10240x128xf32, #tpu.memory_space<hbm>> -> memref<1x128x128xf32, #tpu.memory_space<hbm>>
    %dma_wait3A_296 = tpu.memref_squeeze %dma_wait3A_295 : memref<1x128x128xf32, #tpu.memory_space<hbm>> -> memref<128x128xf32, #tpu.memory_space<hbm>>
    %dma_wait3A_297 = arith.constant 0 : i32
    %dma_wait3A_298 = tpu.memref_slice %arg10[%add3A_265, %dma_wait3A_297] : memref<10240x128xf32, #tpu.memory_space<vmem_shared>> -> memref<128x128xf32, #tpu.memory_space<vmem_shared>>
    tpu.wait_dma2 semaphore(%arg12 : memref<!tpu.dma_semaphore, #tpu.memory_space<semaphore_mem>>) src(%dma_wait3A_298 : memref<128x128xf32, #tpu.memory_space<vmem_shared>>) dst(%dma_wait3A_296 : memref<128x128xf32, #tpu.memory_space<hbm>>)
    %dma_wait3A_299 = tpu.memref_slice %arg5[%arg0, %mul3A_2] : memref<2x10240xf32, #tpu.memory_space<hbm>> -> memref<1x640xf32, #tpu.memory_space<hbm>>
    %dma_wait3A_300 = tpu.memref_squeeze %dma_wait3A_299 : memref<1x640xf32, #tpu.memory_space<hbm>> -> memref<640xf32, #tpu.memory_space<hbm>>
    %dma_wait3A_301 = tpu.memref_slice %arg11[%mul3A_2] : memref<10240xf32, #tpu.memory_space<vmem_shared>> -> memref<640xf32, #tpu.memory_space<vmem_shared>>
    tpu.wait_dma2 semaphore(%arg12 : memref<!tpu.dma_semaphore, #tpu.memory_space<semaphore_mem>>) src(%dma_wait3A_301 : memref<640xf32, #tpu.memory_space<vmem_shared>>) dst(%dma_wait3A_300 : memref<640xf32, #tpu.memory_space<hbm>>)
    "tpu.trace_stop"() : () -> ()
    return
  }
}

</mosaic_0001>

<sc_bundles>
// kernel: _sc_agg.3.cloned.1.call-start
scs
__scs_entry_jumppad:
0x0: {  	(pc) =	sbr.rel $0x88, $3  }
0x1: {  	(tag) =	ssettag $0x0;
	lr =	simm.s32 $0x1  }
0x2: {  	[smem:$0x3F9F] =	sst lr;
	_ =	strace $0xD0000000  }
0x3: {  	_ = 	snop  }
0x4: {  	_ = 	snop  }
0x5: {  	_ = 	snop  }
0x6: {  	_ = 	snop  }
0x7: {  	_ = 	snop  }
__scs_overlays_trampoline_lowered:
0x8: {  	[smem:$0x3FAE] =	sst s0  }
0x9: {  	[smem:$0x3FAF] =	sst s1  }
0xa: {  	[smem:$0x3FB0] =	sst s2  }
0xb: {  	[smem:$0x3FB1] =	sst s3  }
0xc: {  	[smem:$0x3FB2] =	sst s4  }
0xd: {  	[smem:$0x3FB3] =	sst s5  }
0xe: {  	[smem:$0x3FB4] =	sst s6  }
0xf: {  	[smem:$0x3FB5] =	sst s7  }
0x10: {  	[smem:$0x3FB6] =	sst s8  }
0x11: {  	[smem:$0x3FB7] =	sst s9;
	s0 =	simm.s32 @!p0 $0x0  }
0x12: {  	s1 =	sld [smem:$0x3F9D];
	s0 =	simm.s32 @p0 $0x1  }
0x13: {  	[smem:$0x3FB8] =	sst s0;
	s0 =	simm.s32 @!p1 $0x0  }
0x14: {  	s2 =	sld [smem:$0x3F9C];
	s0 =	simm.s32 @p1 $0x1  }
0x15: {  	[smem:$0x3FB9] =	sst s0;
	s0 =	simm.s32 @!p2 $0x0  }
0x16: {  	s3 =	sld [smem:$0x3FDB];
	s0 =	simm.s32 @p2 $0x1  }
0x17: {  	s4 =	simm.s32 $0x1BF5;
	[smem:$0x3FBB] =	sst s0  }
0x18: {  	s0 =	sld [smem:$0x3F9E];
	_ =	swait.ge [sflag:s4], $0x0  }
0x19: {  	s7 =	sld [smem:$0x3F9F]  }
0x1a: {  	s8 =	sadd.s32 $0xFFFFE003, lr  }
0x1b: {  	s9 =	sadd.s32 $0xFFFFFEF7, lr;
	s5 =	simm.s32 $0xFFFFFFFF;
	p2 =	slt.u32 s8, $0xFFFFF086  }
0x1c: {  	p1 =	slt.u32 s9, $0xF7A;
	s5 =	simm.s32 @!p2 $0x0  }
0x1d: {  	s5 =	simm.s32 @p1 $0x1;
	p0 =	seq.s32 s7, s2  }
0x1e: {  	s7 =	smul.u32 @!p0 $0xF7A, s2;
	p2 =	seq.s32 @!p0 s5, $0x0  }
0x1f: {  	s9 =	smul.u32 $0xF7A, s1;
	s8 =	simm.s32 @!p0 $0x1BF5;
	p2 =	por !p2, p0  }
0x20: {  	[sflag:s8] =	ssyncset.s32 @!p0 $0xFFFFF086;
	s6 =	sadd.s32 @!p0 s3, s7;
	s7 =	simm.s32 @!p0 $0x108  }
0x21: {  	s3 =	sadd.s32 s3, s9;
	s6 =	sadd.s32 @!p0 $0x88, s6;
	s7 =	simm.s32 @p2 $0x1082  }
0x22: {  	[simem:s7], [sflag:s8] =	dma.local @!p0 [hbm:s6], $0xF7A  }
0x23: {  	s9 =	sor.u32 $0xD0000000, s2;
	s6 =	simm.s32 $0x108;
	_ =	swait.ge @!p0 [sflag:s8], $0x0  }
0x24: {  	s3 =	sadd.s32 $0x88, s3;
	s6 =	simm.s32 @!p1 $0x1082;
	[sflag:s4] =	ssyncset.s32 $0xFFFFF086  }
0x25: {  	[simem:s6], [sflag:s4] =	dma.local [hbm:s3], $0xF7A  }
0x26: {  	[smem:$0x3F9F] =	sst s1;
	(tag) =	ssettag s2;
	_ =	strace s9  }
0x27: {  	s1 =	sld [smem:$0x3FAF]  }
0x28: {  	s2 =	sld [smem:$0x3FB0]  }
0x29: {  	s4 =	sld [smem:$0x3FB2]  }
0x2a: {  	p0 =	seq.s32 s5, $0x0;
	s5 =	sld [smem:$0x3FB3]  }
0x2b: {  	s6 =	sld [smem:$0x3FB4]  }
0x2c: {  	s7 =	sld [smem:$0x3FB5]  }
0x2d: {  	s3 =	simm.s32 $0x108;
	s8 =	sld [smem:$0x3FB6]  }
0x2e: {  	s3 =	simm.s32 @!p0 $0x1082;
	s9 =	sld [smem:$0x3FB7]  }
0x2f: {  	lr =	sadd.s32 s0, s3;
	s0 =	sld [smem:$0x3FAE]  }
0x30: {  	s3 =	sld [smem:$0x3FB1]  }
0x31: {  	[smem:$0x3FBA] =	sst s10  }
0x32: {  	s10 =	sld [smem:$0x3FB8];
	_ =	sdelay $0x3  }
0x33: {  	p0 =	seq.s32 s10, $0x1;
	s10 =	sld [smem:$0x3FBA];
	_ =	sdelay $0x3  }
0x34: {  	[smem:$0x3FBA] =	sst s10  }
0x35: {  	s10 =	sld [smem:$0x3FB9];
	_ =	sdelay $0x3  }
0x36: {  	p1 =	seq.s32 s10, $0x1;
	s10 =	sld [smem:$0x3FBA];
	_ =	sdelay $0x3  }
0x37: {  	[smem:$0x3FBA] =	sst s10  }
0x38: {  	s10 =	sld [smem:$0x3FBB]  }
0x39: {  	_ = 	snop;
	(pc) =	sbr.ind lr, $3  }
0x3a: {  	_ = 	snop  }
0x3b: {  	_ = 	snop  }
0x3c: {  	p2 =	seq.s32 s10, $0x1;
	s10 =	sld [smem:$0x3FBA]  }
0x3d: {  	_ =	shalt  }
0x3e: {  	_ =	shalt  }
0x3f: {  	_ =	shalt  }
0x40: {  	_ =	shalt  }
0x41: {  	_ =	shalt  }
0x42: {  	_ =	shalt  }
0x43: {  	_ =	shalt  }
0x44: {  	_ =	shalt  }
0x45: {  	_ =	shalt  }
0x46: {  	_ =	shalt  }
0x47: {  	_ =	shalt  }
0x48: {  	_ =	shalt  }
0x49: {  	_ =	shalt  }
0x4a: {  	_ =	shalt  }
0x4b: {  	_ =	shalt  }
0x4c: {  	_ =	shalt  }
0x4d: {  	_ =	shalt  }
0x4e: {  	_ =	shalt  }
0x4f: {  	_ =	shalt  }
0x50: {  	_ =	shalt  }
0x51: {  	_ =	shalt  }
0x52: {  	_ =	shalt  }
0x53: {  	_ =	shalt  }
0x54: {  	_ =	shalt  }
0x55: {  	_ =	shalt  }
0x56: {  	_ =	shalt  }
0x57: {  	_ =	shalt  }
0x58: {  	_ =	shalt  }
0x59: {  	_ =	shalt  }
0x5a: {  	_ =	shalt  }
0x5b: {  	_ =	shalt  }
0x5c: {  	_ =	shalt  }
0x5d: {  	_ =	shalt  }
0x5e: {  	_ =	shalt  }
0x5f: {  	_ =	shalt  }
0x60: {  	_ =	shalt  }
0x61: {  	_ =	shalt  }
0x62: {  	_ =	shalt  }
0x63: {  	_ =	shalt  }
0x64: {  	_ =	shalt  }
0x65: {  	_ =	shalt  }
0x66: {  	_ =	shalt  }
0x67: {  	_ =	shalt  }
0x68: {  	_ =	shalt  }
0x69: {  	_ =	shalt  }
0x6a: {  	_ =	shalt  }
0x6b: {  	_ =	shalt  }
0x6c: {  	_ =	shalt  }
0x6d: {  	_ =	shalt  }
0x6e: {  	_ =	shalt  }
0x6f: {  	_ =	shalt  }
0x70: {  	_ =	shalt  }
0x71: {  	_ =	shalt  }
0x72: {  	_ =	shalt  }
0x73: {  	_ =	shalt  }
0x74: {  	_ =	shalt  }
0x75: {  	_ =	shalt  }
0x76: {  	_ =	shalt  }
0x77: {  	_ =	shalt  }
0x78: {  	_ =	shalt  }
0x79: {  	_ =	shalt  }
0x7a: {  	_ =	shalt  }
0x7b: {  	_ =	shalt  }
0x7c: {  	_ =	shalt  }
0x7d: {  	_ =	shalt  }
0x7e: {  	_ =	shalt  }
0x7f: {  	_ =	shalt  }
0x80: {  	_ =	shalt  }
0x81: {  	_ =	shalt  }
0x82: {  	_ =	shalt  }
0x83: {  	_ =	shalt  }
0x84: {  	_ =	shalt  }
0x85: {  	_ =	shalt  }
0x86: {  	_ =	shalt  }
0x87: {  	_ =	shalt  }
.Lfunc_end0:
.L_simem_size_0:
called_computation_lowered:
.L_overlay_start_0:
0x88: {  	s2 =	sld [smem:$0x3FD9]  }
0x89: {  	s3 =	sld [smem:$0x3FFE];
	_ =	sdelay $0x1  }
0x8a: {  	s1 =	srdreg.scid  }
0x8b: {  	s0 =	sand.u32 $0x1, s1  }
0x8c: {  	s15 =	sshll.u32 s0, $0xA;
	s2 =	sadd.s32 s3, s2  }
0x8d: {  	s2 =	sadd.s32 s2, s15  }
0x8e: {  	[smem:$0x3FC6] =	sst s2  }
0x8f: {  	_ = 	snop  }
0x90: {  	s2 =	sld [smem:$0x3FD0];
	_ =	sdelay $0x1  }
0x91: {  	s16 =	sld [smem:$0x3FC9]  }
0x92: {  	s5 =	simm.s32 $0xA;
	s6 =	simm.s32 $0x10;
	s4 =	sld [smem:$0x3FC8]  }
0x93: {  	[smem:s6], [sflag:s5] =	dma.local [hbm:s2], $0x1  }
0x94: {  	_ =	swait.eq [sflag:s5], $0x1  }
0x95: {  	[sflag:s5] =	ssyncset.done $0x0  }
0x96: {  	s17 =	sld [smem:$0x10];
	[sflag:s5] =	ssyncadd.s32 $0xFFFFFFFF  }
0x97: {  	s18 =	sld [smem:$0x11];
	(tm) =	ssettm $0x1  }
0x98: {  	s19 =	sld [smem:$0x3FFB];
	_ =	sdelay $0x3  }
0x99: {  	_ =	strace s19  }
0x9a: {  	s6 =	sld [smem:$0x3FFC];
	_ =	sdelay $0x3  }
0x9b: {  	_ =	strace s6  }
0x9c: {  	s6 =	sld [smem:$0x3FFD];
	_ =	sdelay $0x3  }
0x9d: {  	_ =	strace s6  }
0x9e: {  	_ =	strace $0x8FFFFFFF  }
0x9f: {  	s20 =	sld [smem:$0x3FDB];
	_ =	sdelay $0x1  }
0xa0: {  	s7 =	simm.s32 $_scs_section_size  }
0xa1: {  	s8 =	simm.s32 $_size__tile_overlayer_lowered;
	s9 =	simm.s32 $_tile_overlayer_lowered  }
0xa2: {  	s23 =	simm.s32 $0x1BFF;
	s22 =	sshll.u32 s9, $0x1;
	s6 =	sadd.s32 s7, s20  }
0xa3: {  	s10 =	simm.s32 $0x0;
	s21 =	sshll.u32 s8, $0x1;
	s8 =	sadd.s32 s22, s6  }
0xa4: {  	[timem:s10], [sflag:s23] =	dma.local [hbm:s8], s21  }
0xa5: {  	_ =	swait.ge [sflag:s23], s21  }
0xa6: {  	s7 =	ssub.s32 $0x0, s21;
	[sflag:s23] =	ssyncset.done $0x0  }
0xa7: {  	[sflag:s23] =	ssyncadd.s32 s7;
	_ =	sdelay $0x1  }
0xa8: {  	s24 =	simm.s32 $0x1B8B  }
0xa9: {  	_ =	swait.ge [sflag:s24], $0x1  }
0xaa: {  	[sflag:s24] =	ssyncset.done $0x0  }
0xab: {  	s25 =	simm.s32 $0x1B8E;
	[sflag:s24] =	ssyncadd.s32 $0xFFFFFFFF  }
0xac: {  	s26 =	simm.s32 $execute0_lowered;
	[smem:$0x3FD2] =	sst s25  }
0xad: {  	s7 =	sshll.u32 s26, $0x1;
	_ =	strace $0x80000046;
	[dreg:$0x1] =	wrdreg $0xFFFFFFFF  }
0xae: {  	s28 =	simm.s32 $_size_execute0_lowered;
	s6 =	sadd.s32 s6, s7;
	[dreg:$0x0] =	wrdreg $0x0  }
0xaf: {  	s7 =	sshll.u32 s28, $0x1;
	[dreg:$0x2] =	wrdreg s6  }
0xb0: {  	[dreg:$0x3] =	wrdreg s7  }
0xb1: {  	[dreg:$0x4] =	wrdreg $0xC0  }
0xb2: {  	_ =	task [dreg:s10], $0x5FFFF  }
0xb3: {  	[dreg:$0x1] =	wrdreg $0xFFFFFFFF  }
0xb4: {  	[dreg:$0x0] =	wrdreg $0x60  }
0xb5: {  	[dreg:$0x2] =	wrdreg s16  }
0xb6: {  	[dreg:$0x3] =	wrdreg s4  }
0xb7: {  	[dreg:$0x4] =	wrdreg s17  }
0xb8: {  	[dreg:$0x5] =	wrdreg s18  }
0xb9: {  	[dreg:$0x6] =	wrdreg $0xA9000  }
0xba: {  	[dreg:$0x7] =	wrdreg $0x1E9000  }
0xbb: {  	[dreg:$0x8] =	wrdreg $0x9  }
0xbc: {  	_ =	task.clear_ibuf [dreg:s10], $0x9FFFF;
	_ =	strace $0x90000046  }
0xbd: {  	s29 =	simm.s32 $0x9;
	_ =	strace $0x8000004B  }
0xbe: {  	_ =	swait.ge [sflag:s29], $0x1  }
0xbf: {  	[sflag:s29] =	ssyncadd.s32 $0xFFFFFFFF  }
0xc0: {  	_ =	strace $0x9000004B  }
0xc1: {  	_ =	sfence  }
0xc2: {  	s30 =	sld [smem:$0x0];
	_ =	sdelay $0x2  }
0xc3: {  	s31 =	sshll.u32 s1, $0xD;
	s1 =	sshrl.u32 s1, $0x2  }
0xc4: {  	s3 =	sand.u32 $0x4000, s31;
	s1 =	sadd.s32 s1, s30  }
0xc5: {  	s0 =	sor.u32 s3, s0;
	s1 =	sshll.u32 s1, $0x11  }
0xc6: {  	s0 =	sor.u32 s1, s0  }
0xc7: {  	s0 =	sadd.s32 $0x8F2B, s0  }
0xc8: {  	[sflag:s0] =	ssyncadd.remote.s32 $0x1  }
0xc9: {  	_ =	sfence.sel $0xFFFF  }
0xca: {  	[dreg:$0x0] =	wrdreg $0xFFFFFFFF;
	(pc) =	sbr.abs _section_cstart, $3  }
0xcb: {  	[dreg:$0x1] =	wrdreg $0xFFFFFFFF  }
0xcc: {  	_ =	task.clear_ibuf [dreg:s10], $0x2FFFF;
	_ =	strace $0x9FFFFFFF  }
0xcd: {  	(tm) =	ssettm $0x7FFFFFFF  }
tec
execute0_lowered:
.L_overlay_start_1:
0x0: {  	(tag) =	ssettag $0x1  }
0x1: {  	s0 =	rddreg [dreg:$0x0]  }
0x2: {  	s2 =	rddreg [dreg:$0x1]  }
0x3: {  	s5 =	rddreg [dreg:$0x2]  }
0x4: {  	s6 =	rddreg [dreg:$0x3]  }
0x5: {  	s1 =	rddreg [dreg:$0x4];
	s4 =	srdreg.scid  }
0x6: {  	s3 =	rddreg [dreg:$0x5];
	s23 =	stileid.u32  }
0x7: {  	s28 =	simm.s32 $0x1;
	s29 =	simm.s32 $0x4;
	s10 =	smul.u32 $0x280, s23  }
0x8: {  	s30 =	simm.s32 $0x80;
	s31 =	simm.s32 $0x2;
	s11 =	smul.u32 $0x50000, s23  }
0x9: {  	s7 =	sand.u32 $0x1, s4;
	s4 =	simm.s32 $0x0;
	s13 =	smul.u32 $0x14000, s23  }
0xa: {  	s22 =	sshll.u32 s23, $0x1;
	s23 =	smul.u32 $0x500, s23;
	s8 =	ssub.s32 $0x2, s7  }
0xb: {  	[smem:$0x7FF] =	sst s4;
	s12 =	smul.u32 $0x140000, s7;
	s9 =	sshrl.u32 s8, $0x1  }
0xc: {  	s14 =	sadd.s32 $0x80, s10;
	s16 =	sadd.s32 $0x100, s10;
	s18 =	sadd.s32 $0x180, s10  }
0xd: {  	s20 =	sadd.s32 $0x200, s10;
	s11 =	sshrl.u32 s11, $0x2;
	s8 =	ssub.s32 s8, s9  }
0xe: {  	s9 =	sor.u32 s7, s22;
	s15 =	sshll.u32 s14, $0x7;
	s17 =	sshll.u32 s16, $0x7  }
0xf: {  	s19 =	sshll.u32 s18, $0x7;
	s13 =	sadd.s32 s13, s12;
	s22 =	sshll.u32 s20, $0x7  }
0x10: {  	s7 =	sshll.u32 s7, $0x7;
	s11 =	sadd.s32 s11, s1;
	s18 =	sadd.s32 s18, s3  }
0x11: {  	s20 =	sadd.s32 s20, s3;
	s21 =	sadd.s32 s12, s15;
	s13 =	sshrl.u32 s13, $0x3  }
0x12: {  	s25 =	sadd.s32 s12, s17;
	s26 =	sadd.s32 s12, s19;
	s12 =	sadd.s32 s12, s22  }
0x13: {  	s21 =	sshrl.u32 s21, $0x3;
	s13 =	sadd.s32 s5, s13;
	s12 =	sshrl.u32 s12, $0x3  }
0x14: {  	[dreg:$0x7] =	wrdreg s13;
	s24 =	sadd.s32 s5, s21;
	s13 =	sshrl.u32 s25, $0x3  }
0x15: {  	s21 =	sshrl.u32 s26, $0x3;
	[dreg:$0x8] =	wrdreg s24;
	s13 =	sadd.s32 s5, s13  }
0x16: {  	s25 =	sadd.s32 s16, s3;
	[dreg:$0x9] =	wrdreg s13;
	s13 =	sadd.s32 s5, s21  }
0x17: {  	s26 =	smul.u32 $0x5000, s9;
	s5 =	sadd.s32 s5, s12;
	[dreg:$0xa] =	wrdreg s13  }
0x18: {  	s24 =	sadd.s32 s14, s3;
	s12 =	sadd.s32 s10, s3;
	[dreg:$0xb] =	wrdreg s5  }
0x19: {  	s5 =	sor.u32 s7, s23;
	s13 =	sadd.s32 s15, s1;
	s15 =	sadd.s32 s17, s1  }
0x1a: {  	s17 =	sadd.s32 s19, s1;
	s19 =	sadd.s32 s22, s1;
	s7 =	sshrl.u32 s26, $0x3  }
0x1b: {  	s22 =	smax.u32 s8, $0x1;
	_ =	strace $0x80000047;
	[dreg:$0xc] =	wrdreg s24  }
0x1c: {  	s26 =	simm.s32 $0xA880;
	s8 =	simm.s32 $0x6800;
	[dreg:$0xd] =	wrdreg s25  }
0x1d: {  	s5 =	sshrl.u32 s5, $0x3;
	s23 =	sadd.s32 s2, s7;
	s25 =	simm.s32 $0x2800  }
0x1e: {  	s2 =	simm.s32 $0xA800;
	s7 =	simm.s32 $0x0;
	s21 =	sadd.s32 s6, s5  }
0x1f: {  	v0 =	vimm.f32 $1.000000000e+00;
	v1 =	vimm.f32 $0.0e+00;
	s24 =	sadd.s32 $0x500, s23;
	s5 =	simm.s32 $0x180;
	s6 =	simm.s32 $0x3  }
.LBB2_1:
0x20: {  	_ =	strace $0x80000048;
	[tilespmem:$0xA800] =	vst v0  }
0x21: {  	[tilespmem:$0xA880] =	vst v1  }
0x22: {  	[tilespmem:$0xA810] =	vst v0  }
0x23: {  	[tilespmem:$0xA890] =	vst v1  }
0x24: {  	[tilespmem:$0xA820] =	vst v0  }
0x25: {  	[tilespmem:$0xA8A0] =	vst v1  }
0x26: {  	[tilespmem:$0xA830] =	vst v0  }
0x27: {  	[tilespmem:$0xA8B0] =	vst v1  }
0x28: {  	[tilespmem:$0xA840] =	vst v0  }
0x29: {  	[tilespmem:$0xA8C0] =	vst v1  }
0x2a: {  	[tilespmem:$0xA850] =	vst v0  }
0x2b: {  	[tilespmem:$0xA8D0] =	vst v1  }
0x2c: {  	[tilespmem:$0xA860] =	vst v0  }
0x2d: {  	[tilespmem:$0xA8E0] =	vst v1;
	s9 =	sand.u32 $0xFE00, s4  }
0x2e: {  	[tilespmem:$0xA870] =	vst v0;
	s10 =	sand.u32 $0x70, s4;
	s14 =	sshrl.u32 s9, $0x2  }
0x2f: {  	[tilespmem:$0xA8F0] =	vst v1;
	s9 =	simm.s32 $0x40;
	s14 =	sor.u32 s10, s14;
	s10 =	simm.s32 $0x0  }
.LBB2_2:
0x30: {  	p0 =	sne.s32 s9, $0xFFC0  }
0x31: {  	[tilespmem:s14+$0x2800] =	vst v1;
	s10 =	sadd.s32 $0x10, s10;
	s14 =	smov.u32 s9;
	s9 =	sadd.s32 $0x40, s9  }
.Ltmp0:
0x32: {  	(pc) =	sbr.rel @p0 .LBB2_2-.Ltmp0, $4  }
0x33: {  	_ = 	snop  }
0x34: {  	s14 =	sand.u32 $0xFE00, s14  }
0x35: {  	s16 =	sand.u32 $0x70, s10;
	s14 =	sshrl.u32 s14, $0x2  }
0x36: {  	s14 =	sor.u32 s16, s14  }
0x37: {  	[tilespmem:s14+$0x2800] =	vst v1  }
0x38: {  	[spmem:s11] =	stream.linear.scatter [tilespmem:s25], [sflag:$0x1], $0x4000, $0x200038;
	[tilespmem:$0x1EB80] =	vst v63  }
0x39: {  	_ = 	snop  }
0x3a: {  	[spmem:s12] =	stream.linear.scatter [tilespmem:s26], [sflag:$0x1], $0x80, $0x200038;
	[tilespmem:$0x1EB80] =	vst v63  }
0x3b: {  	_ = 	snop  }
0x3c: {  	[spmem:s13] =	stream.linear.scatter [tilespmem:s25], [sflag:$0x1], $0x4000, $0x200038;
	[tilespmem:$0x1EB80] =	vst v63  }
0x3d: {  	s9 =	rddreg [dreg:$0xc]  }
0x3e: {  	[spmem:s9] =	stream.linear.scatter [tilespmem:s26], [sflag:$0x1], $0x80, $0x200038;
	[tilespmem:$0x1EB80] =	vst v63  }
0x3f: {  	_ = 	snop  }
0x40: {  	[spmem:s15] =	stream.linear.scatter [tilespmem:s25], [sflag:$0x1], $0x4000, $0x200038;
	[tilespmem:$0x1EB80] =	vst v63  }
0x41: {  	s14 =	rddreg [dreg:$0xd]  }
0x42: {  	[spmem:s14] =	stream.linear.scatter [tilespmem:s26], [sflag:$0x1], $0x80, $0x200038;
	[tilespmem:$0x1EB80] =	vst v63  }
0x43: {  	_ = 	snop  }
0x44: {  	[spmem:s17] =	stream.linear.scatter [tilespmem:s25], [sflag:$0x1], $0x4000, $0x200038;
	[tilespmem:$0x1EB80] =	vst v63  }
0x45: {  	_ = 	snop  }
0x46: {  	[spmem:s18] =	stream.linear.scatter [tilespmem:s26], [sflag:$0x1], $0x80, $0x200038;
	[tilespmem:$0x1EB80] =	vst v63  }
0x47: {  	_ = 	snop  }
0x48: {  	[spmem:s19] =	stream.linear.scatter [tilespmem:s25], [sflag:$0x1], $0x4000, $0x200038;
	[tilespmem:$0x1EB80] =	vst v63  }
0x49: {  	_ = 	snop  }
0x4a: {  	[spmem:s20] =	stream.linear.scatter [tilespmem:s26], [sflag:$0x1], $0x80, $0x200038;
	[tilespmem:$0x1EB80] =	vst v63  }
0x4b: {  	_ =	swait.ge [sflag:s28], $0x4000  }
0x4c: {  	[sflag:s28] =	ssyncset.done $0x0  }
0x4d: {  	[sflag:s28] =	ssyncadd.s32 $0xFFFFC000  }
0x4e: {  	_ =	swait.ge [sflag:s28], $0x80  }
0x4f: {  	[sflag:s28] =	ssyncset.done $0x0  }
0x50: {  	[sflag:s28] =	ssyncadd.s32 $0xFFFFFF80  }
0x51: {  	_ =	swait.ge [sflag:s28], $0x4000  }
0x52: {  	[sflag:s28] =	ssyncset.done $0x0  }
0x53: {  	[sflag:s28] =	ssyncadd.s32 $0xFFFFC000  }
0x54: {  	_ =	swait.ge [sflag:s28], $0x80  }
0x55: {  	[sflag:s28] =	ssyncset.done $0x0  }
0x56: {  	[sflag:s28] =	ssyncadd.s32 $0xFFFFFF80  }
0x57: {  	_ =	swait.ge [sflag:s28], $0x4000  }
0x58: {  	[sflag:s28] =	ssyncset.done $0x0  }
0x59: {  	[sflag:s28] =	ssyncadd.s32 $0xFFFFC000  }
0x5a: {  	_ =	swait.ge [sflag:s28], $0x80  }
0x5b: {  	[sflag:s28] =	ssyncset.done $0x0  }
0x5c: {  	[sflag:s28] =	ssyncadd.s32 $0xFFFFFF80  }
0x5d: {  	_ =	swait.ge [sflag:s28], $0x4000  }
0x5e: {  	[sflag:s28] =	ssyncset.done $0x0  }
0x5f: {  	[sflag:s28] =	ssyncadd.s32 $0xFFFFC000  }
0x60: {  	_ =	swait.ge [sflag:s28], $0x80  }
0x61: {  	[sflag:s28] =	ssyncset.done $0x0  }
0x62: {  	[sflag:s28] =	ssyncadd.s32 $0xFFFFFF80  }
0x63: {  	_ =	swait.ge [sflag:s28], $0x4000  }
0x64: {  	[sflag:s28] =	ssyncset.done $0x0  }
0x65: {  	[sflag:s28] =	ssyncadd.s32 $0xFFFFC000  }
0x66: {  	_ =	swait.ge [sflag:s28], $0x80  }
0x67: {  	[sflag:s28] =	ssyncset.done $0x0  }
0x68: {  	[sflag:s28] =	ssyncadd.s32 $0xFFFFFF80  }
0x69: {  	_ =	strace $0x90000048  }
0x6a: {  	[bflag:$0x0] =	sbarrier.arrive $0xFFFF  }
0x6b: {  	_ =	strace $0x80000049  }
0x6c: {  	[tilespmem:s4], [sflag:$0x4] =	stream.linear.gather [hbm4b:s23+s4], $0x2800, $0x200038;
	[tilespmem:$0x1EB80] =	vst v63  }
0x6d: {  	_ =	swait.ge [sflag:s29], $0x2800  }
0x6e: {  	[sflag:s29] =	ssyncset.done $0x0  }
0x6f: {  	[sflag:s29] =	ssyncadd.s32 $0xFFFFD800  }
0x70: {  	[tilespmem:s25], [sflag:$0x2] =	stream.indirect.gather [hbm4b:s0+s30], $0x80, s4, s30, $0x2000b8;
	[tilespmem:$0x1EB80] =	vst v63  }
0x71: {  	s16 =	simm.s32 $0x100  }
0x72: {  	[tilespmem:s8], [sflag:$0x2] =	stream.indirect.gather [hbm4b:s0+s30], $0x80, s16, s30, $0x2000b8;
	[tilespmem:$0x1EB80] =	vst v63  }
0x73: {  	_ =	swait.ge [sflag:s31], $0x4000  }
0x74: {  	[sflag:s31] =	ssyncset.done $0x0  }
0x75: {  	[sflag:s31] =	ssyncadd.s32 $0xFFFFC000  }
0x76: {  	[spmem:s1] =	stream.indirect.scatter.add.f32 [tilespmem:s25], [sflag:$0x3], $0x80, s30, s30, $0x2000b8;
	[tilespmem:$0x1EB80] =	vst v63  }
0x77: {  	_ = 	snop  }
0x78: {  	[spmem:s3] =	stream.indirect.scatter.add.f32 [tilespmem:s2], [sflag:$0x3], $0x1, s30, s30, $0x2000b8;
	[tilespmem:$0x1EB80] =	vst v63  }
0x79: {  	_ =	swait.ge [sflag:s31], $0x4000  }
0x7a: {  	[sflag:s31] =	ssyncset.done $0x0  }
0x7b: {  	[sflag:s31] =	ssyncadd.s32 $0xFFFFC000  }
0x7c: {  	[spmem:s1] =	stream.indirect.scatter.add.f32 [tilespmem:s8], [sflag:$0x3], $0x80, s5, s30, $0x2000b8;
	[tilespmem:$0x1EB80] =	vst v63  }
0x7d: {  	_ = 	snop  }
0x7e: {  	[spmem:s3] =	stream.indirect.scatter.add.f32 [tilespmem:s2], [sflag:$0x3], $0x1, s5, s30, $0x2000b8;
	[tilespmem:$0x1EB80] =	vst v63  }
0x7f: {  	_ =	swait.ge [sflag:s6], $0x4000  }
0x80: {  	[sflag:s6] =	ssyncset.done $0x0  }
0x81: {  	[sflag:s6] =	ssyncadd.s32 $0xFFFFC000  }
0x82: {  	_ =	swait.ge [sflag:s6], $0x80  }
0x83: {  	[sflag:s6] =	ssyncset.done $0x0  }
0x84: {  	s10 =	simm.s32 $0x200;
	[sflag:s6] =	ssyncadd.s32 $0xFFFFFF80  }
0x85: {  	[tilespmem:s25], [sflag:$0x2] =	stream.indirect.gather [hbm4b:s0+s30], $0x80, s10, s30, $0x2000b8;
	[tilespmem:$0x1EB80] =	vst v63  }
0x86: {  	_ =	swait.ge [sflag:s6], $0x4000  }
0x87: {  	[sflag:s6] =	ssyncset.done $0x0  }
0x88: {  	[sflag:s6] =	ssyncadd.s32 $0xFFFFC000  }
0x89: {  	_ =	swait.ge [sflag:s6], $0x80  }
0x8a: {  	[sflag:s6] =	ssyncset.done $0x0  }
0x8b: {  	s14 =	simm.s32 $0x300;
	[sflag:s6] =	ssyncadd.s32 $0xFFFFFF80  }
0x8c: {  	[tilespmem:s8], [sflag:$0x2] =	stream.indirect.gather [hbm4b:s0+s30], $0x80, s14, s30, $0x2000b8;
	[tilespmem:$0x1EB80] =	vst v63  }
0x8d: {  	_ =	swait.ge [sflag:s31], $0x4000  }
0x8e: {  	[sflag:s31] =	ssyncset.done $0x0  }
0x8f: {  	s16 =	simm.s32 $0x280;
	[sflag:s31] =	ssyncadd.s32 $0xFFFFC000  }
0x90: {  	[spmem:s1] =	stream.indirect.scatter.add.f32 [tilespmem:s25], [sflag:$0x3], $0x80, s16, s30, $0x2000b8;
	[tilespmem:$0x1EB80] =	vst v63  }
0x91: {  	_ = 	snop  }
0x92: {  	[spmem:s3] =	stream.indirect.scatter.add.f32 [tilespmem:s2], [sflag:$0x3], $0x1, s16, s30, $0x2000b8;
	[tilespmem:$0x1EB80] =	vst v63  }
0x93: {  	_ =	swait.ge [sflag:s31], $0x4000  }
0x94: {  	[sflag:s31] =	ssyncset.done $0x0  }
0x95: {  	s9 =	simm.s32 $0xFFFF7000;
	s10 =	simm.s32 $0x380;
	[sflag:s31] =	ssyncadd.s32 $0xFFFFC000  }
0x96: {  	[spmem:s1] =	stream.indirect.scatter.add.f32 [tilespmem:s8], [sflag:$0x3], $0x80, s10, s30, $0x2000b8;
	[tilespmem:$0x1EB80] =	vst v63  }
.LBB2_4:
0x97: {  	[spmem:s3] =	stream.indirect.scatter.add.f32 [tilespmem:s2], [sflag:$0x3], $0x1, s10, s30, $0x2000b8;
	[tilespmem:$0x1EB80] =	vst v63  }
0x98: {  	s10 =	smov.u32 s9  }
0x99: {  	p0 =	sne.s32 s9, $0xFFFFF800;
	s9 =	sadd.s32 $0x800, s9;
	_ =	swait.ge [sflag:s6], $0x4000  }
0x9a: {  	[sflag:s6] =	ssyncset.done $0x0  }
0x9b: {  	[sflag:s6] =	ssyncadd.s32 $0xFFFFC000  }
0x9c: {  	_ =	swait.ge [sflag:s6], $0x80  }
0x9d: {  	s10 =	sshra.s32 s10, $0x2;
	[sflag:s6] =	ssyncset.done $0x0  }
0x9e: {  	s14 =	sadd.s32 $0x2800, s10;
	[sflag:s6] =	ssyncadd.s32 $0xFFFFFF80  }
0x9f: {  	[tilespmem:s25], [sflag:$0x2] =	stream.indirect.gather [hbm4b:s0+s30], $0x80, s14, s30, $0x2000b8;
	[tilespmem:$0x1EB80] =	vst v63  }
0xa0: {  	_ =	swait.ge [sflag:s6], $0x4000  }
0xa1: {  	[sflag:s6] =	ssyncset.done $0x0  }
0xa2: {  	[sflag:s6] =	ssyncadd.s32 $0xFFFFC000  }
0xa3: {  	_ =	swait.ge [sflag:s6], $0x80  }
0xa4: {  	[sflag:s6] =	ssyncset.done $0x0  }
0xa5: {  	s14 =	sadd.s32 $0x2900, s10;
	[sflag:s6] =	ssyncadd.s32 $0xFFFFFF80  }
0xa6: {  	[tilespmem:s8], [sflag:$0x2] =	stream.indirect.gather [hbm4b:s0+s30], $0x80, s14, s30, $0x2000b8;
	[tilespmem:$0x1EB80] =	vst v63  }
0xa7: {  	_ =	swait.ge [sflag:s31], $0x4000  }
0xa8: {  	[sflag:s31] =	ssyncset.done $0x0  }
0xa9: {  	s14 =	sadd.s32 $0x2880, s10;
	[sflag:s31] =	ssyncadd.s32 $0xFFFFC000  }
0xaa: {  	[spmem:s1] =	stream.indirect.scatter.add.f32 [tilespmem:s25], [sflag:$0x3], $0x80, s14, s30, $0x2000b8;
	[tilespmem:$0x1EB80] =	vst v63  }
0xab: {  	_ = 	snop  }
0xac: {  	[spmem:s3] =	stream.indirect.scatter.add.f32 [tilespmem:s2], [sflag:$0x3], $0x1, s14, s30, $0x2000b8;
	[tilespmem:$0x1EB80] =	vst v63  }
.Ltmp1:
0xad: {  	_ = 	snop;
	(pc) =	sbr.rel @p0 .LBB2_4-.Ltmp1, $4  }
0xae: {  	_ =	swait.ge [sflag:s31], $0x4000  }
0xaf: {  	[sflag:s31] =	ssyncset.done $0x0  }
0xb0: {  	s10 =	sadd.s32 $0x2980, s10;
	[sflag:s31] =	ssyncadd.s32 $0xFFFFC000  }
0xb1: {  	[spmem:s1] =	stream.indirect.scatter.add.f32 [tilespmem:s8], [sflag:$0x3], $0x80, s10, s30, $0x2000b8;
	[tilespmem:$0x1EB80] =	vst v63  }
0xb2: {  	[spmem:s3] =	stream.indirect.scatter.add.f32 [tilespmem:s2], [sflag:$0x3], $0x1, s10, s30, $0x2000b8;
	[tilespmem:$0x1EB80] =	vst v63  }
0xb3: {  	s9 =	simm.s32 $0x0  }
0xb4: {  	[tilespmem:s9], [sflag:$0x4] =	stream.linear.gather [hbm4b:s24+s9], $0x2800, $0x200038;
	[tilespmem:$0x1EB80] =	vst v63  }
0xb5: {  	_ =	swait.ge [sflag:s29], $0x2800  }
0xb6: {  	[sflag:s29] =	ssyncset.done $0x0  }
0xb7: {  	[sflag:s29] =	ssyncadd.s32 $0xFFFFD800  }
0xb8: {  	_ =	swait.ge [sflag:s6], $0x4000  }
0xb9: {  	[sflag:s6] =	ssyncset.done $0x0  }
0xba: {  	[sflag:s6] =	ssyncadd.s32 $0xFFFFC000  }
0xbb: {  	_ =	swait.ge [sflag:s6], $0x80  }
0xbc: {  	[sflag:s6] =	ssyncset.done $0x0  }
0xbd: {  	s10 =	simm.s32 $0x0;
	[sflag:s6] =	ssyncadd.s32 $0xFFFFFF80  }
0xbe: {  	[tilespmem:s25], [sflag:$0x2] =	stream.indirect.gather [hbm4b:s0+s30], $0x80, s10, s30, $0x2000b8;
	[tilespmem:$0x1EB80] =	vst v63  }
0xbf: {  	_ =	swait.ge [sflag:s6], $0x4000  }
0xc0: {  	[sflag:s6] =	ssyncset.done $0x0  }
0xc1: {  	[sflag:s6] =	ssyncadd.s32 $0xFFFFC000  }
0xc2: {  	_ =	swait.ge [sflag:s6], $0x80  }
0xc3: {  	[sflag:s6] =	ssyncset.done $0x0  }
0xc4: {  	s14 =	simm.s32 $0x100;
	[sflag:s6] =	ssyncadd.s32 $0xFFFFFF80  }
0xc5: {  	[tilespmem:s8], [sflag:$0x2] =	stream.indirect.gather [hbm4b:s0+s30], $0x80, s14, s30, $0x2000b8;
	[tilespmem:$0x1EB80] =	vst v63  }
0xc6: {  	_ =	swait.ge [sflag:s31], $0x4000  }
0xc7: {  	[sflag:s31] =	ssyncset.done $0x0  }
0xc8: {  	s16 =	simm.s32 $0x80;
	[sflag:s31] =	ssyncadd.s32 $0xFFFFC000  }
0xc9: {  	[spmem:s1] =	stream.indirect.scatter.add.f32 [tilespmem:s25], [sflag:$0x3], $0x80, s16, s30, $0x2000b8;
	[tilespmem:$0x1EB80] =	vst v63  }
0xca: {  	_ = 	snop  }
0xcb: {  	[spmem:s3] =	stream.indirect.scatter.add.f32 [tilespmem:s2], [sflag:$0x3], $0x1, s16, s30, $0x2000b8;
	[tilespmem:$0x1EB80] =	vst v63  }
0xcc: {  	_ =	swait.ge [sflag:s31], $0x4000  }
0xcd: {  	[sflag:s31] =	ssyncset.done $0x0  }
0xce: {  	s9 =	simm.s32 $0x800;
	s10 =	simm.s32 $0x180;
	[sflag:s31] =	ssyncadd.s32 $0xFFFFC000  }
0xcf: {  	[spmem:s1] =	stream.indirect.scatter.add.f32 [tilespmem:s8], [sflag:$0x3], $0x80, s10, s30, $0x2000b8;
	[tilespmem:$0x1EB80] =	vst v63  }
.LBB2_6:
0xd0: {  	[spmem:s3] =	stream.indirect.scatter.add.f32 [tilespmem:s2], [sflag:$0x3], $0x1, s10, s30, $0x2000b8;
	[tilespmem:$0x1EB80] =	vst v63  }
0xd1: {  	s10 =	smov.u32 s9  }
0xd2: {  	p0 =	sne.s32 s9, $0x9800;
	s9 =	sadd.s32 $0x800, s9;
	_ =	swait.ge [sflag:s6], $0x4000  }
0xd3: {  	[sflag:s6] =	ssyncset.done $0x0  }
0xd4: {  	[sflag:s6] =	ssyncadd.s32 $0xFFFFC000  }
0xd5: {  	_ =	swait.ge [sflag:s6], $0x80  }
0xd6: {  	[sflag:s6] =	ssyncset.done $0x0  }
0xd7: {  	s10 =	sshra.s32 s10, $0x2;
	[sflag:s6] =	ssyncadd.s32 $0xFFFFFF80  }
0xd8: {  	[tilespmem:s25], [sflag:$0x2] =	stream.indirect.gather [hbm4b:s0+s30], $0x80, s10, s30, $0x2000b8;
	[tilespmem:$0x1EB80] =	vst v63  }
0xd9: {  	_ =	swait.ge [sflag:s6], $0x4000  }
0xda: {  	[sflag:s6] =	ssyncset.done $0x0  }
0xdb: {  	[sflag:s6] =	ssyncadd.s32 $0xFFFFC000  }
0xdc: {  	_ =	swait.ge [sflag:s6], $0x80  }
0xdd: {  	[sflag:s6] =	ssyncset.done $0x0  }
0xde: {  	s14 =	sadd.s32 $0x100, s10;
	[sflag:s6] =	ssyncadd.s32 $0xFFFFFF80  }
0xdf: {  	[tilespmem:s8], [sflag:$0x2] =	stream.indirect.gather [hbm4b:s0+s30], $0x80, s14, s30, $0x2000b8;
	[tilespmem:$0x1EB80] =	vst v63  }
0xe0: {  	_ =	swait.ge [sflag:s31], $0x4000  }
0xe1: {  	[sflag:s31] =	ssyncset.done $0x0  }
0xe2: {  	s14 =	sadd.s32 $0x80, s10;
	[sflag:s31] =	ssyncadd.s32 $0xFFFFC000  }
0xe3: {  	[spmem:s1] =	stream.indirect.scatter.add.f32 [tilespmem:s25], [sflag:$0x3], $0x80, s14, s30, $0x2000b8;
	[tilespmem:$0x1EB80] =	vst v63  }
0xe4: {  	_ = 	snop  }
0xe5: {  	[spmem:s3] =	stream.indirect.scatter.add.f32 [tilespmem:s2], [sflag:$0x3], $0x1, s14, s30, $0x2000b8;
	[tilespmem:$0x1EB80] =	vst v63  }
.Ltmp2:
0xe6: {  	_ = 	snop;
	(pc) =	sbr.rel @p0 .LBB2_6-.Ltmp2, $4  }
0xe7: {  	_ =	swait.ge [sflag:s31], $0x4000  }
0xe8: {  	[sflag:s31] =	ssyncset.done $0x0  }
0xe9: {  	s10 =	sadd.s32 $0x180, s10;
	[sflag:s31] =	ssyncadd.s32 $0xFFFFC000  }
0xea: {  	[spmem:s1] =	stream.indirect.scatter.add.f32 [tilespmem:s8], [sflag:$0x3], $0x80, s10, s30, $0x2000b8;
	[tilespmem:$0x1EB80] =	vst v63  }
0xeb: {  	[spmem:s3] =	stream.indirect.scatter.add.f32 [tilespmem:s2], [sflag:$0x3], $0x1, s10, s30, $0x2000b8;
	[tilespmem:$0x1EB80] =	vst v63  }
0xec: {  	_ =	swait.ge [sflag:s6], $0x4000  }
0xed: {  	[sflag:s6] =	ssyncset.done $0x0  }
0xee: {  	[sflag:s6] =	ssyncadd.s32 $0xFFFFC000  }
0xef: {  	_ =	swait.ge [sflag:s6], $0x80  }
0xf0: {  	[sflag:s6] =	ssyncset.done $0x0  }
0xf1: {  	[sflag:s6] =	ssyncadd.s32 $0xFFFFFF80  }
0xf2: {  	_ =	swait.ge [sflag:s6], $0x4000  }
0xf3: {  	[sflag:s6] =	ssyncset.done $0x0  }
0xf4: {  	[sflag:s6] =	ssyncadd.s32 $0xFFFFC000  }
0xf5: {  	_ =	swait.ge [sflag:s6], $0x80  }
0xf6: {  	[sflag:s6] =	ssyncset.done $0x0  }
0xf7: {  	[sflag:s6] =	ssyncadd.s32 $0xFFFFFF80  }
0xf8: {  	_ =	strace $0x90000049  }
0xf9: {  	s9 =	stileid.u32;
	[bflag:$0x0] =	sbarrier.arrive $0xFFFF  }
0xfa: {  	s9 =	sshll.u32 s9, $0x6;
	_ =	strace $0x8000004A  }
0xfb: {  	s16 =	sshrl.u32 s11, $0x3;
	s9 =	sor.u32 $0x1C01, s9;
	s14 =	rddreg [dreg:$0x7]  }
0xfc: {  	[hbm:s14], [sflag:s9] =	dma.local [spmem:s16], $0x800  }
0xfd: {  	s16 =	sshrl.u32 s13, $0x3;
	s14 =	rddreg [dreg:$0x8]  }
0xfe: {  	[hbm:s14], [sflag:s9] =	dma.local [spmem:s16], $0x800  }
0xff: {  	s16 =	sshrl.u32 s15, $0x3;
	s14 =	rddreg [dreg:$0x9]  }
0x100: {  	[hbm:s14], [sflag:s9] =	dma.local [spmem:s16], $0x800  }
0x101: {  	s16 =	sshrl.u32 s17, $0x3;
	s14 =	rddreg [dreg:$0xa]  }
0x102: {  	[hbm:s14], [sflag:s9] =	dma.local [spmem:s16], $0x800  }
0x103: {  	s16 =	sshrl.u32 s19, $0x3;
	s14 =	rddreg [dreg:$0xb]  }
0x104: {  	[hbm:s14], [sflag:s9] =	dma.local [spmem:s16], $0x800  }
0x105: {  	s10 =	sshrl.u32 s12, $0x3;
	s14 =	simm.s32 $0x20;
	s16 =	simm.s32 $0x10  }
0x106: {  	[hbm:s21@s14], [sflag:s9] =	dma.strided [spmem:s10@s16], $0x50, s28, $0x10   }
0x107: {  	_ =	swait.ge [sflag:s28], $0x800  }
0x108: {  	[sflag:s28] =	ssyncset.done $0x0  }
0x109: {  	[sflag:s28] =	ssyncadd.s32 $0xFFFFF800  }
0x10a: {  	_ =	swait.ge [sflag:s28], $0x800  }
0x10b: {  	[sflag:s28] =	ssyncset.done $0x0  }
0x10c: {  	[sflag:s28] =	ssyncadd.s32 $0xFFFFF800  }
0x10d: {  	_ =	swait.ge [sflag:s28], $0x800  }
0x10e: {  	[sflag:s28] =	ssyncset.done $0x0  }
0x10f: {  	[sflag:s28] =	ssyncadd.s32 $0xFFFFF800  }
0x110: {  	_ =	swait.ge [sflag:s28], $0x800  }
0x111: {  	[sflag:s28] =	ssyncset.done $0x0  }
0x112: {  	[sflag:s28] =	ssyncadd.s32 $0xFFFFF800  }
0x113: {  	s7 =	sadd.s32 $0x1, s7;
	_ =	swait.ge [sflag:s28], $0x800  }
0x114: {  	p0 =	sne.s32 s7, s22;
	[sflag:s28] =	ssyncset.done $0x0  }
.Ltmp3:
0x115: {  	[sflag:s28] =	ssyncadd.s32 $0xFFFFF800;
	(pc) =	sbr.rel @p0 .LBB2_1-.Ltmp3, $4  }
0x116: {  	_ =	swait.ge [sflag:s28], $0x50  }
0x117: {  	[sflag:s28] =	ssyncset.done $0x0  }
0x118: {  	[sflag:s28] =	ssyncadd.s32 $0xFFFFFFB0  }
0x119: {  	_ =	strace $0x9000004A  }
0x11a: {  	_ =	sfence.sel $0x180000  }
0x11b: {  	[bflag:$0x0] =	sbarrier.arrive $0xFFFF  }
0x11c: {  	_ =	strace $0x90000047  }
0x11d: {  	s0 =	stileid.u32;
	[bflag:$0x2] =	sbarrier.arrive $0xFFFF  }
0x11e: {  	p0 =	sne.s32 s0, $0x0;
	s0 =	rddreg [dreg:$0x6]  }
0x11f: {  	s0 =	sadd.s32 @!p0 $0x100000, s0  }
0x120: {  	[sflag:s0] =	ssyncadd.tile.s32 @!p0 $0x1;
	_ =	shalt  }
.Lfunc_end2:
_tile_overlayer_lowered:
.L_overlay_start_2:
0x121: {  	(tag) =	ssettag $0x2  }
0x122: {  	s0 =	rddreg [dreg:$0x0];
	s2 =	stileid.u32  }
0x123: {  	s1 =	rddreg [dreg:$0x1];
	p0 =	sne.s32 s2, $0x0  }
0x124: {  	s3 =	rddreg [dreg:$0x2];
	[bflag:$0x3] =	sbarrier.arrive $0xFFFF;
	s2 =	simm.s32 @!p0 $0x1C04  }
0x125: {  	[timem:s3], [sflag:s2] =	dma.local @!p0 [hbm:s0], s1  }
0x126: {  	s0 =	simm.s32 @!p0 $0x4  }
0x127: {  	_ =	swait.ge @!p0 [sflag:s0], s1  }
0x128: {  	s1 =	ssub.s32 @!p0 $0x0, s1;
	[sflag:s0] =	ssyncset.done @!p0 $0x0  }
0x129: {  	[sflag:s0] =	ssyncadd.s32 @!p0 s1  }
0x12a: {  	[bflag:$0x3] =	sbarrier.arrive $0xFFFF  }
0x12b: {  	_ =	shalt  }

</sc_bundles>
